<compile_context>
chip_gen: v7x
topology: tpu7x:2x2x1
jax: 0.10.2.dev20260603
libtpu: 0.0.44.dev20260713+nightly
codegen_flags: <defaults>
</compile_context>

<pallas_src>
import functools

import jax
import jax.numpy as jnp
from jax import lax
from jax.experimental import pallas as pl
from jax.experimental.pallas import tpu as pltpu
from jax.experimental.pallas import tpu_sc as plsc

F32 = jnp.float32
BF16 = jnp.bfloat16
I32 = jnp.int32
D = 128
N = 100000
NP = 106496
H = 4
HD = 32
B = 4096
BQ = 64
BLK = 8192
NBLK = 13
BLK2 = 8192
NBLK2 = 13
NEG = -1e9
SCALE = 0.17677669529663687
NW = 32
RCH = 3136
RCH_LAST = N - (NW - 1) * RCH


def _enc_body(obs_ref, W1_ref, b1_ref, g1_ref, be1_ref, W2_ref, b2_ref,
              qv_ref, Wqp_ref, bqp_ref, Wq_ref, bq_ref, emb_ref, qh_ref):
    i = pl.program_id(0)
    x = obs_ref[...].astype(BF16)
    h = lax.dot_general(x, W1_ref[...].astype(BF16), (((1,), (1,)), ((), ())),
                        preferred_element_type=F32) + b1_ref[...]
    mu = jnp.mean(h, axis=1, keepdims=True)
    var = jnp.mean((h - mu) ** 2, axis=1, keepdims=True)
    h = (h - mu) / jnp.sqrt(var + 1e-5) * g1_ref[...] + be1_ref[...]
    h = h * 0.5 * (1.0 + lax.erf(h * 0.7071067811865476))
    emb_ref[...] = lax.dot_general(h.astype(BF16), W2_ref[...].astype(BF16),
                                   (((1,), (1,)), ((), ())),
                                   preferred_element_type=F32) + b2_ref[...]

    @pl.when(i == 0)
    def _():
        q = lax.dot_general(qv_ref[...], Wqp_ref[...],
                            (((1,), (1,)), ((), ()))) + bqp_ref[...]
        qh = lax.dot_general(q, Wq_ref[...],
                             (((1,), (1,)), ((), ()))) + bq_ref[...]
        qh_ref[...] = qh * SCALE


def _sc_body(sl_hbm, rel_hbm, rel2_hbm, sl_v, relv, sem):
    del sem
    w = lax.axis_index("s") * 2 + lax.axis_index("c")
    base = w * RCH

    @pl.when(w < NW - 1)
    def _():
        pltpu.sync_copy(rel_hbm.at[pl.ds(base, RCH)], relv)

    @pl.when(w == NW - 1)
    def _():
        pltpu.sync_copy(rel_hbm.at[pl.ds((NW - 1) * RCH, RCH_LAST)],
                        relv.at[pl.ds(0, RCH_LAST)])

    pltpu.sync_copy(sl_hbm, sl_v)
    hi = jnp.minimum(base + RCH, N)
    ones16 = jnp.full((16,), 1.0, F32)

    def body(t, carry):
        vec = sl_v[pl.ds(t * 16, 16)]
        inr = (vec >= base) & (vec < hi)
        loc = jnp.where(inr, vec - base, 0)
        plsc.store_scatter(relv, [loc], ones16, mask=inr)
        return carry

    lax.fori_loop(0, B // 16, body, 0)

    @pl.when(w < NW - 1)
    def _():
        pltpu.sync_copy(relv, rel2_hbm.at[pl.ds(base, RCH)])

    @pl.when(w == NW - 1)
    def _():
        pltpu.sync_copy(relv.at[pl.ds(0, RCH_LAST)],
                        rel2_hbm.at[pl.ds((NW - 1) * RCH, RCH_LAST)])


def _passa_body(ss_sm, starts_sm, perm_sm, mem_ref, rel_ref, emb_ref, qh_ref,
                Wk_ref, bk_ref, Wv_ref, bv_ref, Wout_ref, bout_ref,
                kh_ref, m_ref, l_ref, res_ref, scr, ms, ls, accs):
    j = pl.program_id(0)

    @pl.when(j == 0)
    def _():
        ms[...] = jnp.full((BQ, 8), -1e30, F32)
        ls[...] = jnp.zeros((BQ, 8), F32)
        accs[...] = jnp.zeros((BQ, D), F32)

    rowmask = lax.broadcasted_iota(I32, (BLK, D), 0) < (N - j * BLK)
    scr[...] = jnp.where(rowmask, mem_ref[...], 0.0)

    def ub(r, carry):
        row = ss_sm[r] - j * BLK
        pi = perm_sm[r]
        scr[pl.ds(row, 1), :] = emb_ref[pl.ds(pi, 1), :]
        return carry

    lax.fori_loop(starts_sm[j], starts_sm[j + 1], ub, 0)

    mb = scr[...].astype(BF16)
    kb = (lax.dot_general(mb, Wk_ref[...], (((1,), (1,)), ((), ())),
                          preferred_element_type=F32)
          + bk_ref[...]).astype(BF16)
    kh_ref[...] = kb
    vb = (lax.dot_general(mb, Wv_ref[...], (((1,), (1,)), ((), ())),
                          preferred_element_type=F32)
          + bv_ref[...]).astype(BF16)
    colv = j * BLK + lax.broadcasted_iota(I32, (1, BLK), 1)
    madd = jnp.where((rel_ref[...] < 0.1) | (colv >= N), NEG, 0.0)
    qh = qh_ref[...].astype(BF16)
    for h in range(H):
        s = lax.dot_general(qh[:, h * HD:(h + 1) * HD], kb[:, h * HD:(h + 1) * HD],
                            (((1,), (1,)), ((), ())),
                            preferred_element_type=F32) + madd
        mo = ms[:, h:h + 1]
        mn = jnp.maximum(mo, jnp.max(s, axis=1, keepdims=True))
        al = jnp.exp(mo - mn)
        p = jnp.exp(s - mn)
        ls[:, h:h + 1] = ls[:, h:h + 1] * al + jnp.sum(p, axis=1, keepdims=True)
        accs[:, h * HD:(h + 1) * HD] = (
            accs[:, h * HD:(h + 1) * HD] * al
            + lax.dot_general(p.astype(BF16), vb[:, h * HD:(h + 1) * HD],
                              (((1,), (0,)), ((), ())),
                              preferred_element_type=F32))
        ms[:, h:h + 1] = mn

    @pl.when(j == NBLK - 1)
    def _():
        linv = jnp.concatenate(
            [jnp.broadcast_to(ls[:, h:h + 1], (BQ, HD)) for h in range(H)],
            axis=1)
        o = accs[...] / linv
        res_ref[...] = lax.dot_general(o, Wout_ref[...],
                                       (((1,), (1,)), ((), ()))) + bout_ref[...]
        m_ref[...] = ms[...]
        l_ref[...] = ls[...]


def _passb_body(kh_ref, rel_ref, qh_ref, m_ref, l_ref, w_ref):
    j = pl.program_id(0)
    kb = kh_ref[...]
    colv = j * BLK2 + lax.broadcasted_iota(I32, (1, BLK2), 1)
    madd = jnp.where((rel_ref[...] < 0.1) | (colv >= N), NEG, 0.0)
    qh = qh_ref[...].astype(BF16)
    acc = jnp.zeros((BQ, BLK2), F32)
    for h in range(H):
        s = lax.dot_general(qh[:, h * HD:(h + 1) * HD], kb[:, h * HD:(h + 1) * HD],
                            (((1,), (1,)), ((), ())),
                            preferred_element_type=F32) + madd
        acc = acc + jnp.exp(s - m_ref[:, h:h + 1]) * (0.25 / l_ref[:, h:h + 1])
    w_ref[...] = acc


def _full(shape):
    return pl.BlockSpec(shape, lambda *_: tuple(0 for _ in shape))


def kernel(observation, slots, query_vec, mem_emb, mem_keys, relevances,
           W1, b1, g1, be1, W2, b2, Wkp, bkp, Wqp, bqp, Win, bin, Wout, bout):
    del mem_keys, Wkp, bkp
    slots = slots.astype(I32)
    Wq, Wk, Wv = Win[:D], Win[D:2 * D], Win[2 * D:]
    bq, bk, bv = bin[:D], bin[D:2 * D], bin[2 * D:]
    row = lambda v: v.reshape(1, -1)

    order = jnp.argsort(slots).astype(I32)
    ss = slots[order]
    starts = jnp.searchsorted(
        ss, jnp.arange(NBLK + 1, dtype=I32) * BLK, side="left").astype(I32)

    emb, qh = pl.pallas_call(
        _enc_body,
        grid=(8,),
        in_specs=[
            pl.BlockSpec((512, 512), lambda i: (i, 0)),
            _full((256, 512)), _full((1, 256)), _full((1, 256)),
            _full((1, 256)), _full((128, 256)), _full((1, 128)),
            _full((64, 64)), _full((128, 64)), _full((1, 128)),
            _full((128, 128)), _full((1, 128)),
        ],
        out_specs=[
            pl.BlockSpec((512, 128), lambda i: (i, 0)),
            pl.BlockSpec((64, 128), lambda i: (0, 0)),
        ],
        out_shape=[
            jax.ShapeDtypeStruct((B, D), F32),
            jax.ShapeDtypeStruct((BQ, D), F32),
        ],
    )(observation, W1, row(b1), row(g1), row(be1), W2, row(b2),
      query_vec, Wqp, row(bqp), Wq, row(bq))

    sc_update = functools.partial(
        pl.kernel,
        out_type=jax.ShapeDtypeStruct((N,), F32),
        mesh=plsc.VectorSubcoreMesh(core_axis_name="c", subcore_axis_name="s"),
        compiler_params=pltpu.CompilerParams(needs_layout_passes=False),
        scratch_types=[
            pltpu.VMEM((B,), I32), pltpu.VMEM((RCH,), F32),
            pltpu.SemaphoreType.DMA,
        ],
    )(_sc_body)
    rel2 = sc_update(slots, relevances)
    rel2r = rel2.reshape(1, N)

    kh, m, l, result = pl.pallas_call(
        _passa_body,
        grid_spec=pltpu.PrefetchScalarGridSpec(
            num_scalar_prefetch=3,
            grid=(NBLK,),
            in_specs=[
                pl.BlockSpec((BLK, D), lambda j, *_: (j, 0)),
                pl.BlockSpec((1, BLK), lambda j, *_: (0, j)),
                _full((B, D)), _full((BQ, D)), _full((D, D)), _full((1, D)),
                _full((D, D)), _full((1, D)), _full((D, D)), _full((1, D)),
            ],
            out_specs=[
                pl.BlockSpec((BLK, D), lambda j, *_: (j, 0)),
                pl.BlockSpec((BQ, 8), lambda j, *_: (0, 0)),
                pl.BlockSpec((BQ, 8), lambda j, *_: (0, 0)),
                pl.BlockSpec((BQ, D), lambda j, *_: (0, 0)),
            ],
            scratch_shapes=[
                pltpu.VMEM((BLK, D), F32),
                pltpu.VMEM((BQ, 8), F32), pltpu.VMEM((BQ, 8), F32),
                pltpu.VMEM((BQ, D), F32),
            ],
        ),
        out_shape=[
            jax.ShapeDtypeStruct((NP, D), BF16),
            jax.ShapeDtypeStruct((BQ, 8), F32),
            jax.ShapeDtypeStruct((BQ, 8), F32),
            jax.ShapeDtypeStruct((BQ, D), F32),
        ],
    )(ss, starts, order, mem_emb, rel2r, emb, qh, Wk.astype(BF16), row(bk), Wv.astype(BF16), row(bv),
      Wout, row(bout))

    weights = pl.pallas_call(
        _passb_body,
        grid=(NBLK2,),
        in_specs=[
            pl.BlockSpec((BLK2, D), lambda j: (j, 0)),
            pl.BlockSpec((1, BLK2), lambda j: (0, j)),
            _full((BQ, D)), _full((BQ, 8)), _full((BQ, 8)),
        ],
        out_specs=pl.BlockSpec((BQ, BLK2), lambda j: (0, j)),
        out_shape=jax.ShapeDtypeStruct((BQ, N), F32),
    )(kh, rel2r, qh, m, l)

    return (result, weights)

# --- scband reference (transcript-rebuilt; emitter-appended) ---
"""Pipeline reference for scband-entity-memory-43224550866977 (READ-ONLY COPY).

The authoritative reference and input builder live on the scoring server;
editing this copy changes nothing except your own understanding.
"""

import jax, jax.numpy as jnp
import numpy as np

ENTITY_DIM = 128
KEY_DIM = 64
MAX_ENT = 100000
NHEADS = 4
HEAD_DIM = ENTITY_DIM // NHEADS
INPUT_DIM = 512
PRUNE = 0.1
B = 4096
BQ = 64


def _layernorm(x, g, b, eps=1e-5):
    m = x.mean(-1, keepdims=True)
    v = x.var(-1, keepdims=True)
    return (x - m) / jnp.sqrt(v + eps) * g + b


def setup_inputs(seed: int = 0) -> dict:
    key = jax.random.key(seed)
    ks = jax.random.split(key, 16)
    s = 0.02
    inp = {}
    inp["observation"] = jax.random.normal(ks[0], (B, INPUT_DIM), dtype=jnp.float32)
    inp["slots"] = jax.random.randint(ks[1], (B,), 0, MAX_ENT, dtype=jnp.int64) if jax.config.jax_enable_x64 else jax.random.randint(ks[1], (B,), 0, MAX_ENT, dtype=jnp.int32)
    inp["query_vec"] = jax.random.normal(ks[2], (BQ, KEY_DIM), dtype=jnp.float32)
    inp["mem_emb"] = jax.random.normal(ks[3], (MAX_ENT, ENTITY_DIM), dtype=jnp.float32)
    inp["mem_keys"] = jax.random.normal(ks[4], (MAX_ENT, KEY_DIM), dtype=jnp.float32)
    inp["relevances"] = jax.random.uniform(ks[5], (MAX_ENT,), dtype=jnp.float32)
    # EntityEncoder params
    inp["W1"] = jax.random.normal(ks[6], (ENTITY_DIM * 2, INPUT_DIM), dtype=jnp.float32) * s
    inp["b1"] = jnp.zeros((ENTITY_DIM * 2,), dtype=jnp.float32)
    inp["g1"] = jnp.ones((ENTITY_DIM * 2,), dtype=jnp.float32)
    inp["be1"] = jnp.zeros((ENTITY_DIM * 2,), dtype=jnp.float32)
    inp["W2"] = jax.random.normal(ks[7], (ENTITY_DIM, ENTITY_DIM * 2), dtype=jnp.float32) * s
    inp["b2"] = jnp.zeros((ENTITY_DIM,), dtype=jnp.float32)
    inp["Wkp"] = jax.random.normal(ks[8], (KEY_DIM, ENTITY_DIM), dtype=jnp.float32) * s
    inp["bkp"] = jnp.zeros((KEY_DIM,), dtype=jnp.float32)
    # EntityQueryAttention params
    inp["Wqp"] = jax.random.normal(ks[9], (ENTITY_DIM, KEY_DIM), dtype=jnp.float32) * s
    inp["bqp"] = jnp.zeros((ENTITY_DIM,), dtype=jnp.float32)
    inp["Win"] = jax.random.normal(ks[10], (3 * ENTITY_DIM, ENTITY_DIM), dtype=jnp.float32) * s
    inp["bin"] = jnp.zeros((3 * ENTITY_DIM,), dtype=jnp.float32)
    inp["Wout"] = jax.random.normal(ks[11], (ENTITY_DIM, ENTITY_DIM), dtype=jnp.float32) * s
    inp["bout"] = jnp.zeros((ENTITY_DIM,), dtype=jnp.float32)
    return inp


def reference(observation, slots, query_vec, mem_emb, mem_keys, relevances,
              W1, b1, g1, be1, W2, b2, Wkp, bkp, Wqp, bqp, Win, bin, Wout, bout):
    # --- EntityEncoder: encode observations into embeddings + keys ---
    h = observation @ W1.T + b1
    h = _layernorm(h, g1, be1)
    h = jax.nn.gelu(h, approximate=False)
    emb = h @ W2.T + b2                      # [B, entity_dim]
    keyv = emb @ Wkp.T + bkp                 # [B, key_dim]
    # --- update_from_observation / add_entity: scatter-overwrite into memory ---
    mem_emb2 = mem_emb.at[slots].set(emb)
    mem_keys2 = mem_keys.at[slots].set(keyv)
    rel2 = relevances.at[slots].set(1.0)
    # --- EntityQueryAttention.query over the (updated) entity memory ---
    q = query_vec @ Wqp.T + bqp              # [BQ, entity_dim]
    Wq, Wk, Wv = Win[:ENTITY_DIM], Win[ENTITY_DIM:2 * ENTITY_DIM], Win[2 * ENTITY_DIM:]
    bq, bk, bv = bin[:ENTITY_DIM], bin[ENTITY_DIM:2 * ENTITY_DIM], bin[2 * ENTITY_DIM:]
    qh = (q @ Wq.T + bq).reshape(BQ, NHEADS, HEAD_DIM)
    kh = (mem_emb2 @ Wk.T + bk).reshape(MAX_ENT, NHEADS, HEAD_DIM)
    vh = (mem_emb2 @ Wv.T + bv).reshape(MAX_ENT, NHEADS, HEAD_DIM)
    scale = 1.0 / jnp.sqrt(HEAD_DIM)
    scores = jnp.einsum('bhd,nhd->bhn', qh, kh) * scale   # [BQ, H, N]
    attn_mask = jnp.where(rel2 < PRUNE, -1e9, 0.0)         # [N]
    scores = scores + attn_mask[None, None, :]
    attn = jax.nn.softmax(scores, axis=-1)
    out = jnp.einsum('bhn,nhd->bhd', attn, vh).reshape(BQ, ENTITY_DIM)
    result = out @ Wout.T + bout             # [BQ, entity_dim]
    weights = attn.mean(axis=1)              # [BQ, N] (avg over heads, torch default)
    return (result, weights)

if __name__ == "__main__":
    import jax
    _d = setup_inputs()
    print(jax.jit(kernel)(*tuple(_d.values())))

</pallas_src>

<mosaic_0001>
#map = affine_map<(d0, d1) -> (0)>
module attributes {stable_mosaic.version = 14 : i64} {
  func.func @_sc_body(%arg0: i32, %arg1: i32, %arg2: memref<4096xi32, #tpu.memory_space<hbm>>, %arg3: memref<100000xf32, #tpu.memory_space<hbm>>, %arg4: memref<100000xf32, #tpu.memory_space<hbm>>, %arg5: memref<4096xi32, #tpu.memory_space<vmem>>, %arg6: memref<3136xf32, #tpu.memory_space<vmem>>, %arg7: memref<!tpu.dma_semaphore, #tpu.memory_space<semaphore_mem>>) attributes {dimension_semantics = [#tpu.dimension_semantics<core_parallel>, #tpu.dimension_semantics<subcore_parallel>], iteration_bounds = array<i64: 2, 16>, scalar_prefetch = 0 : i64, scratch_operands = 3 : i64, tpu.core_type = #tpu.core_type<sc_vector_subcore>, window_params = [{transform_indices = #map}, {transform_indices = #map}, {transform_indices = #map}]} {
    %mul3A = arith.constant 2 : i32
    %mul3A_0 = arith.muli %arg1, %mul3A : i32
    %add3A = arith.addi %mul3A_0, %arg0 : i32
    %mul3A_1 = arith.constant 3136 : i32
    %mul3A_2 = arith.muli %add3A, %mul3A_1 : i32
    %lt3A = arith.constant 31 : i32
    %lt3A_3 = arith.cmpi slt, %add3A, %lt3A : i32
    %convert_element_type3A = arith.extui %lt3A_3 : i1 to i32
    %cond3A = arith.constant 0 : i32
    %cond3A_4 = arith.cmpi ne, %convert_element_type3A, %cond3A : i32
    scf.if %cond3A_4 {
      "tpu.region"() ({
        %run_scoped3A = tpu.sem_alloc : memref<!tpu.dma_semaphore, #tpu.memory_space<semaphore_mem>>
        %dma_start3A = tpu.memref_slice %arg3[%mul3A_2] : memref<100000xf32, #tpu.memory_space<hbm>> -> memref<3136xf32, #tpu.memory_space<hbm>>
        %dma_start3A_28 = tpu.memref_slice %arg3[%mul3A_2] : memref<100000xf32, #tpu.memory_space<hbm>> -> memref<3136xf32, #tpu.memory_space<hbm>>
        tpu.enqueue_dma source(%dma_start3A_28 : memref<3136xf32, #tpu.memory_space<hbm>>) target(%arg6 : memref<3136xf32, #tpu.memory_space<vmem>>) target_semaphore(%run_scoped3A : memref<!tpu.dma_semaphore, #tpu.memory_space<semaphore_mem>>)
        %dma_wait3A = tpu.memref_slice %arg3[%mul3A_2] : memref<100000xf32, #tpu.memory_space<hbm>> -> memref<3136xf32, #tpu.memory_space<hbm>>
        %dma_wait3A_29 = tpu.memref_slice %arg3[%mul3A_2] : memref<100000xf32, #tpu.memory_space<hbm>> -> memref<3136xf32, #tpu.memory_space<hbm>>
        tpu.wait_dma2 semaphore(%run_scoped3A : memref<!tpu.dma_semaphore, #tpu.memory_space<semaphore_mem>>) src(%dma_wait3A_29 : memref<3136xf32, #tpu.memory_space<hbm>>) dst(%arg6 : memref<3136xf32, #tpu.memory_space<vmem>>)
        tpu.yield
      }) : () -> ()
    } else {
    }
    %eq3A = arith.constant 31 : i32
    %eq3A_5 = arith.cmpi eq, %add3A, %eq3A : i32
    %convert_element_type3A_6 = arith.extui %eq3A_5 : i1 to i32
    %cond3A_7 = arith.constant 0 : i32
    %cond3A_8 = arith.cmpi ne, %convert_element_type3A_6, %cond3A_7 : i32
    scf.if %cond3A_8 {
      "tpu.region"() ({
        %run_scoped3A = tpu.sem_alloc : memref<!tpu.dma_semaphore, #tpu.memory_space<semaphore_mem>>
        %dma_start3A = arith.constant 0 : i32
        %dma_start3A_28 = tpu.memref_slice %arg6[%dma_start3A] : memref<3136xf32, #tpu.memory_space<vmem>> -> memref<2784xf32, #tpu.memory_space<vmem>>
        %dma_start3A_29 = arith.constant 97216 : i32
        %dma_start3A_30 = tpu.memref_slice %arg3[%dma_start3A_29] : memref<100000xf32, #tpu.memory_space<hbm>> -> memref<2784xf32, #tpu.memory_space<hbm>>
        %dma_start3A_31 = arith.constant 0 : i32
        %dma_start3A_32 = tpu.memref_slice %arg6[%dma_start3A_31] : memref<3136xf32, #tpu.memory_space<vmem>> -> memref<2784xf32, #tpu.memory_space<vmem>>
        %dma_start3A_33 = arith.constant 97216 : i32
        %dma_start3A_34 = tpu.memref_slice %arg3[%dma_start3A_33] : memref<100000xf32, #tpu.memory_space<hbm>> -> memref<2784xf32, #tpu.memory_space<hbm>>
        tpu.enqueue_dma source(%dma_start3A_34 : memref<2784xf32, #tpu.memory_space<hbm>>) target(%dma_start3A_32 : memref<2784xf32, #tpu.memory_space<vmem>>) target_semaphore(%run_scoped3A : memref<!tpu.dma_semaphore, #tpu.memory_space<semaphore_mem>>)
        %dma_wait3A = arith.constant 0 : i32
        %dma_wait3A_35 = tpu.memref_slice %arg6[%dma_wait3A] : memref<3136xf32, #tpu.memory_space<vmem>> -> memref<2784xf32, #tpu.memory_space<vmem>>
        %dma_wait3A_36 = arith.constant 97216 : i32
        %dma_wait3A_37 = tpu.memref_slice %arg3[%dma_wait3A_36] : memref<100000xf32, #tpu.memory_space<hbm>> -> memref<2784xf32, #tpu.memory_space<hbm>>
        %dma_wait3A_38 = arith.constant 0 : i32
        %dma_wait3A_39 = tpu.memref_slice %arg6[%dma_wait3A_38] : memref<3136xf32, #tpu.memory_space<vmem>> -> memref<2784xf32, #tpu.memory_space<vmem>>
        %dma_wait3A_40 = arith.constant 97216 : i32
        %dma_wait3A_41 = tpu.memref_slice %arg3[%dma_wait3A_40] : memref<100000xf32, #tpu.memory_space<hbm>> -> memref<2784xf32, #tpu.memory_space<hbm>>
        tpu.wait_dma2 semaphore(%run_scoped3A : memref<!tpu.dma_semaphore, #tpu.memory_space<semaphore_mem>>) src(%dma_wait3A_41 : memref<2784xf32, #tpu.memory_space<hbm>>) dst(%dma_wait3A_39 : memref<2784xf32, #tpu.memory_space<vmem>>)
        tpu.yield
      }) : () -> ()
    } else {
    }
    "tpu.region"() ({
      %run_scoped3A = tpu.sem_alloc : memref<!tpu.dma_semaphore, #tpu.memory_space<semaphore_mem>>
      tpu.enqueue_dma source(%arg2 : memref<4096xi32, #tpu.memory_space<hbm>>) target(%arg5 : memref<4096xi32, #tpu.memory_space<vmem>>) target_semaphore(%run_scoped3A : memref<!tpu.dma_semaphore, #tpu.memory_space<semaphore_mem>>)
      tpu.wait_dma2 semaphore(%run_scoped3A : memref<!tpu.dma_semaphore, #tpu.memory_space<semaphore_mem>>) src(%arg2 : memref<4096xi32, #tpu.memory_space<hbm>>) dst(%arg5 : memref<4096xi32, #tpu.memory_space<vmem>>)
      tpu.yield
    }) : () -> ()
    %add3A_9 = arith.constant 3136 : i32
    %add3A_10 = arith.addi %mul3A_2, %add3A_9 : i32
    %min3A = arith.constant 100000 : i32
    %min3A_11 = arith.minsi %add3A_10, %min3A : i32
    %broadcast_in_dim3A = arith.constant 1.000000e+00 : f32
    %broadcast_in_dim3A_12 = vector.broadcast %broadcast_in_dim3A : f32 to vector<16xf32>
    %scan3A = arith.constant 0 : i32
    %scan3A_13 = arith.constant 0 : i32
    %scan3A_14 = arith.constant 256 : i32
    %scan3A_15 = arith.addi %scan3A_13, %scan3A_14 : i32
    %scan3A_16 = arith.constant 1 : i32
    scf.for %scan3A_28 = %scan3A_13 to %scan3A_15 step %scan3A_16  : i32 {
      %mul3A_29 = arith.constant 16 : i32
      %mul3A_30 = arith.muli %scan3A_28, %mul3A_29 : i32
      %get3A = arith.index_cast %mul3A_30 : i32 to index
      %get3A_31 = tpu.vector_load %arg5[%get3A] {strides = array<i32>} : memref<4096xi32, #tpu.memory_space<vmem>>, vector<16xi32>,
      %ge3A = vector.broadcast %mul3A_2 : i32 to vector<16xi32>
      %ge3A_32 = arith.cmpi sge, %get3A_31, %ge3A : vector<16xi32>
      %lt3A_33 = vector.broadcast %min3A_11 : i32 to vector<16xi32>
      %lt3A_34 = arith.cmpi slt, %get3A_31, %lt3A_33 : vector<16xi32>
      %and3A = arith.andi %ge3A_32, %lt3A_34 : vector<16xi1>
      %sub3A = vector.broadcast %mul3A_2 : i32 to vector<16xi32>
      %sub3A_35 = arith.subi %get3A_31, %sub3A : vector<16xi32>
      %jit3A = arith.constant 0 : i32
      %broadcast_in_dim3A_36 = vector.broadcast %jit3A : i32 to vector<16xi32>
      %select_n3A = arith.select %and3A, %sub3A_35, %broadcast_in_dim3A_36 : vector<16xi1>, vector<16xi32>
      tpu.vector_store_idx %arg6[%select_n3A], %broadcast_in_dim3A_12 masked %and3A : memref<3136xf32, #tpu.memory_space<vmem>>[vector<16xi32>], vector<16xf32>, vector<16xi1>
    }
    %scan3A_17 = arith.constant 256 : i32
    %lt3A_18 = arith.constant 31 : i32
    %lt3A_19 = arith.cmpi slt, %add3A, %lt3A_18 : i32
    %convert_element_type3A_20 = arith.extui %lt3A_19 : i1 to i32
    %cond3A_21 = arith.constant 0 : i32
    %cond3A_22 = arith.cmpi ne, %convert_element_type3A_20, %cond3A_21 : i32
    scf.if %cond3A_22 {
      "tpu.region"() ({
        %run_scoped3A = tpu.sem_alloc : memref<!tpu.dma_semaphore, #tpu.memory_space<semaphore_mem>>
        %dma_start3A = tpu.memref_slice %arg4[%mul3A_2] : memref<100000xf32, #tpu.memory_space<hbm>> -> memref<3136xf32, #tpu.memory_space<hbm>>
        %dma_start3A_28 = tpu.memref_slice %arg4[%mul3A_2] : memref<100000xf32, #tpu.memory_space<hbm>> -> memref<3136xf32, #tpu.memory_space<hbm>>
        tpu.enqueue_dma source(%arg6 : memref<3136xf32, #tpu.memory_space<vmem>>) target(%dma_start3A_28 : memref<3136xf32, #tpu.memory_space<hbm>>) target_semaphore(%run_scoped3A : memref<!tpu.dma_semaphore, #tpu.memory_space<semaphore_mem>>)
        %dma_wait3A = tpu.memref_slice %arg4[%mul3A_2] : memref<100000xf32, #tpu.memory_space<hbm>> -> memref<3136xf32, #tpu.memory_space<hbm>>
        %dma_wait3A_29 = tpu.memref_slice %arg4[%mul3A_2] : memref<100000xf32, #tpu.memory_space<hbm>> -> memref<3136xf32, #tpu.memory_space<hbm>>
        tpu.wait_dma2 semaphore(%run_scoped3A : memref<!tpu.dma_semaphore, #tpu.memory_space<semaphore_mem>>) src(%arg6 : memref<3136xf32, #tpu.memory_space<vmem>>) dst(%dma_wait3A_29 : memref<3136xf32, #tpu.memory_space<hbm>>)
        tpu.yield
      }) : () -> ()
    } else {
    }
    %eq3A_23 = arith.constant 31 : i32
    %eq3A_24 = arith.cmpi eq, %add3A, %eq3A_23 : i32
    %convert_element_type3A_25 = arith.extui %eq3A_24 : i1 to i32
    %cond3A_26 = arith.constant 0 : i32
    %cond3A_27 = arith.cmpi ne, %convert_element_type3A_25, %cond3A_26 : i32
    scf.if %cond3A_27 {
      "tpu.region"() ({
        %run_scoped3A = tpu.sem_alloc : memref<!tpu.dma_semaphore, #tpu.memory_space<semaphore_mem>>
        %dma_start3A = arith.constant 0 : i32
        %dma_start3A_28 = tpu.memref_slice %arg6[%dma_start3A] : memref<3136xf32, #tpu.memory_space<vmem>> -> memref<2784xf32, #tpu.memory_space<vmem>>
        %dma_start3A_29 = arith.constant 97216 : i32
        %dma_start3A_30 = tpu.memref_slice %arg4[%dma_start3A_29] : memref<100000xf32, #tpu.memory_space<hbm>> -> memref<2784xf32, #tpu.memory_space<hbm>>
        %dma_start3A_31 = arith.constant 97216 : i32
        %dma_start3A_32 = tpu.memref_slice %arg4[%dma_start3A_31] : memref<100000xf32, #tpu.memory_space<hbm>> -> memref<2784xf32, #tpu.memory_space<hbm>>
        %dma_start3A_33 = arith.constant 0 : i32
        %dma_start3A_34 = tpu.memref_slice %arg6[%dma_start3A_33] : memref<3136xf32, #tpu.memory_space<vmem>> -> memref<2784xf32, #tpu.memory_space<vmem>>
        tpu.enqueue_dma source(%dma_start3A_34 : memref<2784xf32, #tpu.memory_space<vmem>>) target(%dma_start3A_32 : memref<2784xf32, #tpu.memory_space<hbm>>) target_semaphore(%run_scoped3A : memref<!tpu.dma_semaphore, #tpu.memory_space<semaphore_mem>>)
        %dma_wait3A = arith.constant 0 : i32
        %dma_wait3A_35 = tpu.memref_slice %arg6[%dma_wait3A] : memref<3136xf32, #tpu.memory_space<vmem>> -> memref<2784xf32, #tpu.memory_space<vmem>>
        %dma_wait3A_36 = arith.constant 97216 : i32
        %dma_wait3A_37 = tpu.memref_slice %arg4[%dma_wait3A_36] : memref<100000xf32, #tpu.memory_space<hbm>> -> memref<2784xf32, #tpu.memory_space<hbm>>
        %dma_wait3A_38 = arith.constant 97216 : i32
        %dma_wait3A_39 = tpu.memref_slice %arg4[%dma_wait3A_38] : memref<100000xf32, #tpu.memory_space<hbm>> -> memref<2784xf32, #tpu.memory_space<hbm>>
        %dma_wait3A_40 = arith.constant 0 : i32
        %dma_wait3A_41 = tpu.memref_slice %arg6[%dma_wait3A_40] : memref<3136xf32, #tpu.memory_space<vmem>> -> memref<2784xf32, #tpu.memory_space<vmem>>
        tpu.wait_dma2 semaphore(%run_scoped3A : memref<!tpu.dma_semaphore, #tpu.memory_space<semaphore_mem>>) src(%dma_wait3A_41 : memref<2784xf32, #tpu.memory_space<vmem>>) dst(%dma_wait3A_39 : memref<2784xf32, #tpu.memory_space<hbm>>)
        tpu.yield
      }) : () -> ()
    } else {
    }
    return
  }
}

module attributes {stable_mosaic.version = 14 : i64} {
  func.func @_enc_body(%arg0: i32, %arg1: memref<512x512xf32, #tpu.memory_space<vmem>>, %arg2: memref<256x512xf32, #tpu.memory_space<vmem>>, %arg3: memref<1x256xf32, #tpu.memory_space<vmem>>, %arg4: memref<1x256xf32, #tpu.memory_space<vmem>>, %arg5: memref<1x256xf32, #tpu.memory_space<vmem>>, %arg6: memref<128x256xf32, #tpu.memory_space<vmem>>, %arg7: memref<1x128xf32, #tpu.memory_space<vmem>>, %arg8: memref<64x64xf32, #tpu.memory_space<vmem>>, %arg9: memref<128x64xf32, #tpu.memory_space<vmem>>, %arg10: memref<1x128xf32, #tpu.memory_space<vmem>>, %arg11: memref<128x128xf32, #tpu.memory_space<vmem>>, %arg12: memref<1x128xf32, #tpu.memory_space<vmem>>, %arg13: memref<512x128xf32, #tpu.memory_space<vmem>>, %arg14: memref<64x128xf32, #tpu.memory_space<vmem>>) attributes {dimension_semantics = [#tpu.dimension_semantics<arbitrary>], iteration_bounds = array<i64: 8>, scalar_prefetch = 0 : i64, scratch_operands = 0 : i64, tpu.core_type = #tpu.core_type<tc>, window_params = [{transform_indices = @transform_0, window_bounds = array<i64: 512, 512>}, {pipeline_mode = #tpu.pipeline_mode<synchronous>, transform_indices = @transform_1, window_bounds = array<i64: 256, 512>}, {pipeline_mode = #tpu.pipeline_mode<synchronous>, transform_indices = @transform_2, window_bounds = array<i64: 1, 256>}, {pipeline_mode = #tpu.pipeline_mode<synchronous>, transform_indices = @transform_3, window_bounds = array<i64: 1, 256>}, {pipeline_mode = #tpu.pipeline_mode<synchronous>, transform_indices = @transform_4, window_bounds = array<i64: 1, 256>}, {pipeline_mode = #tpu.pipeline_mode<synchronous>, transform_indices = @transform_5, window_bounds = array<i64: 128, 256>}, {pipeline_mode = #tpu.pipeline_mode<synchronous>, transform_indices = @transform_6, window_bounds = array<i64: 1, 128>}, {pipeline_mode = #tpu.pipeline_mode<synchronous>, transform_indices = @transform_7, window_bounds = array<i64: 64, 64>}, {pipeline_mode = #tpu.pipeline_mode<synchronous>, transform_indices = @transform_8, window_bounds = array<i64: 128, 64>}, {pipeline_mode = #tpu.pipeline_mode<synchronous>, transform_indices = @transform_9, window_bounds = array<i64: 1, 128>}, {pipeline_mode = #tpu.pipeline_mode<synchronous>, transform_indices = @transform_10, window_bounds = array<i64: 128, 128>}, {pipeline_mode = #tpu.pipeline_mode<synchronous>, transform_indices = @transform_11, window_bounds = array<i64: 1, 128>}, {transform_indices = @transform_12, window_bounds = array<i64: 512, 128>}, {pipeline_mode = #tpu.pipeline_mode<synchronous>, transform_indices = @transform_13, window_bounds = array<i64: 64, 128>}]} {
    %get3A = arith.constant 0 : index
    %get3A_0 = arith.constant 0 : index
    %get3A_1 = vector.load %arg1[%get3A, %get3A_0] : memref<512x512xf32, #tpu.memory_space<vmem>>, vector<512x512xf32>
    %convert_element_type3A = arith.truncf %get3A_1 : vector<512x512xf32> to vector<512x512xbf16>
    %get3A_2 = arith.constant 0 : index
    %get3A_3 = arith.constant 0 : index
    %get3A_4 = vector.load %arg2[%get3A_2, %get3A_3] : memref<256x512xf32, #tpu.memory_space<vmem>>, vector<256x512xf32>
    %convert_element_type3A_5 = arith.truncf %get3A_4 : vector<256x512xf32> to vector<256x512xbf16>
    %dot_general3A = arith.constant dense<0.000000e+00> : vector<512x256xf32>
    %dot_general3A_6 = tpu.matmul %convert_element_type3A, %convert_element_type3A_5, %dot_general3A {dimension_numbers = #tpu.dot_dimension_numbers<[1], [1], [0], [0], [0, 0, 1, 0], [], []>, transpose_lhs_hint = false} : vector<512x512xbf16>, vector<256x512xbf16>, vector<512x256xf32> -> vector<512x256xf32>
    %get3A_7 = arith.constant 0 : index
    %get3A_8 = arith.constant 0 : index
    %get3A_9 = vector.load %arg3[%get3A_7, %get3A_8] : memref<1x256xf32, #tpu.memory_space<vmem>>, vector<1x256xf32>
    %add3A = vector.broadcast %get3A_9 : vector<1x256xf32> to vector<512x256xf32>
    %add3A_10 = arith.addf %dot_general3A_6, %add3A : vector<512x256xf32>
    %reduce_sum3A = arith.constant dense<0.000000e+00> : vector<512xf32>
    %reduce_sum3A_11 = vector.multi_reduction <add>, %add3A_10, %reduce_sum3A [1] : vector<512x256xf32> to vector<512xf32>
    %broadcast_in_dim3A = vector.shape_cast %reduce_sum3A_11 : vector<512xf32> to vector<512x1xf32>
    %div3A = arith.constant 2.560000e+02 : f32
    %div3A_12 = vector.broadcast %div3A : f32 to vector<512x1xf32>
    %div3A_13 = arith.divf %broadcast_in_dim3A, %div3A_12 : vector<512x1xf32>
    %sub3A = vector.broadcast %div3A_13 : vector<512x1xf32> to vector<512x256xf32>
    %sub3A_14 = arith.subf %add3A_10, %sub3A : vector<512x256xf32>
    %integer_pow3A = arith.mulf %sub3A_14, %sub3A_14 : vector<512x256xf32>
    %reduce_sum3A_15 = arith.constant dense<0.000000e+00> : vector<512xf32>
    %reduce_sum3A_16 = vector.multi_reduction <add>, %integer_pow3A, %reduce_sum3A_15 [1] : vector<512x256xf32> to vector<512xf32>
    %broadcast_in_dim3A_17 = vector.shape_cast %reduce_sum3A_16 : vector<512xf32> to vector<512x1xf32>
    %div3A_18 = arith.constant 2.560000e+02 : f32
    %div3A_19 = vector.broadcast %div3A_18 : f32 to vector<512x1xf32>
    %div3A_20 = arith.divf %broadcast_in_dim3A_17, %div3A_19 : vector<512x1xf32>
    %sub3A_21 = vector.broadcast %div3A_13 : vector<512x1xf32> to vector<512x256xf32>
    %sub3A_22 = arith.subf %add3A_10, %sub3A_21 : vector<512x256xf32>
    %add3A_23 = arith.constant 9.99999974E-6 : f32
    %add3A_24 = vector.broadcast %add3A_23 : f32 to vector<512x1xf32>
    %add3A_25 = arith.addf %div3A_20, %add3A_24 : vector<512x1xf32>
    %sqrt3A = math.sqrt %add3A_25 : vector<512x1xf32>
    %div3A_26 = vector.broadcast %sqrt3A : vector<512x1xf32> to vector<512x256xf32>
    %div3A_27 = arith.divf %sub3A_22, %div3A_26 : vector<512x256xf32>
    %get3A_28 = arith.constant 0 : index
    %get3A_29 = arith.constant 0 : index
    %get3A_30 = vector.load %arg4[%get3A_28, %get3A_29] : memref<1x256xf32, #tpu.memory_space<vmem>>, vector<1x256xf32>
    %mul3A = vector.broadcast %get3A_30 : vector<1x256xf32> to vector<512x256xf32>
    %mul3A_31 = arith.mulf %div3A_27, %mul3A : vector<512x256xf32>
    %get3A_32 = arith.constant 0 : index
    %get3A_33 = arith.constant 0 : index
    %get3A_34 = vector.load %arg5[%get3A_32, %get3A_33] : memref<1x256xf32, #tpu.memory_space<vmem>>, vector<1x256xf32>
    %add3A_35 = vector.broadcast %get3A_34 : vector<1x256xf32> to vector<512x256xf32>
    %add3A_36 = arith.addf %mul3A_31, %add3A_35 : vector<512x256xf32>
    %mul3A_37 = arith.constant 5.000000e-01 : f32
    %mul3A_38 = vector.broadcast %mul3A_37 : f32 to vector<512x256xf32>
    %mul3A_39 = arith.mulf %add3A_36, %mul3A_38 : vector<512x256xf32>
    %mul3A_40 = arith.constant 0.707106769 : f32
    %mul3A_41 = vector.broadcast %mul3A_40 : f32 to vector<512x256xf32>
    %mul3A_42 = arith.mulf %add3A_36, %mul3A_41 : vector<512x256xf32>
    %erf3A = math.erf %mul3A_42 : vector<512x256xf32>
    %add3A_43 = arith.constant 1.000000e+00 : f32
    %add3A_44 = vector.broadcast %add3A_43 : f32 to vector<512x256xf32>
    %add3A_45 = arith.addf %add3A_44, %erf3A : vector<512x256xf32>
    %mul3A_46 = arith.mulf %mul3A_39, %add3A_45 : vector<512x256xf32>
    %convert_element_type3A_47 = arith.truncf %mul3A_46 : vector<512x256xf32> to vector<512x256xbf16>
    %get3A_48 = arith.constant 0 : index
    %get3A_49 = arith.constant 0 : index
    %get3A_50 = vector.load %arg6[%get3A_48, %get3A_49] : memref<128x256xf32, #tpu.memory_space<vmem>>, vector<128x256xf32>
    %convert_element_type3A_51 = arith.truncf %get3A_50 : vector<128x256xf32> to vector<128x256xbf16>
    %dot_general3A_52 = arith.constant dense<0.000000e+00> : vector<512x128xf32>
    %dot_general3A_53 = tpu.matmul %convert_element_type3A_47, %convert_element_type3A_51, %dot_general3A_52 {dimension_numbers = #tpu.dot_dimension_numbers<[1], [1], [0], [0], [0, 0, 1, 0], [], []>, transpose_lhs_hint = false} : vector<512x256xbf16>, vector<128x256xbf16>, vector<512x128xf32> -> vector<512x128xf32>
    %get3A_54 = arith.constant 0 : index
    %get3A_55 = arith.constant 0 : index
    %get3A_56 = vector.load %arg7[%get3A_54, %get3A_55] : memref<1x128xf32, #tpu.memory_space<vmem>>, vector<1x128xf32>
    %add3A_57 = vector.broadcast %get3A_56 : vector<1x128xf32> to vector<512x128xf32>
    %add3A_58 = arith.addf %dot_general3A_53, %add3A_57 : vector<512x128xf32>
    %swap3A = arith.constant 0 : index
    %swap3A_59 = arith.constant 0 : index
    %swap3A_60 = vector.load %arg13[%swap3A, %swap3A_59] : memref<512x128xf32, #tpu.memory_space<vmem>>, vector<512x128xf32>
    tpu.vector_store %arg13[%swap3A, %swap3A_59], %add3A_58 {strides = array<i32>} : memref<512x128xf32, #tpu.memory_space<vmem>>, vector<512x128xf32>,
    %eq3A = arith.constant 0 : i32
    %eq3A_61 = arith.cmpi eq, %arg0, %eq3A : i32
    %convert_element_type3A_62 = arith.extui %eq3A_61 : i1 to i32
    %cond3A = arith.constant 0 : i32
    %cond3A_63 = arith.cmpi ne, %convert_element_type3A_62, %cond3A : i32
    scf.if %cond3A_63 {
      %get3A_64 = arith.constant 0 : index
      %get3A_65 = arith.constant 0 : index
      %get3A_66 = vector.load %arg8[%get3A_64, %get3A_65] : memref<64x64xf32, #tpu.memory_space<vmem>>, vector<64x64xf32>
      %get3A_67 = arith.constant 0 : index
      %get3A_68 = arith.constant 0 : index
      %get3A_69 = vector.load %arg9[%get3A_67, %get3A_68] : memref<128x64xf32, #tpu.memory_space<vmem>>, vector<128x64xf32>
      %dot_general3A_70 = arith.constant dense<0.000000e+00> : vector<64x128xf32>
      %dot_general3A_71 = tpu.matmul %get3A_66, %get3A_69, %dot_general3A_70 {dimension_numbers = #tpu.dot_dimension_numbers<[1], [1], [0], [0], [0, 0, 1, 0], [], []>, transpose_lhs_hint = false} : vector<64x64xf32>, vector<128x64xf32>, vector<64x128xf32> -> vector<64x128xf32>
      %get3A_72 = arith.constant 0 : index
      %get3A_73 = arith.constant 0 : index
      %get3A_74 = vector.load %arg10[%get3A_72, %get3A_73] : memref<1x128xf32, #tpu.memory_space<vmem>>, vector<1x128xf32>
      %add3A_75 = vector.broadcast %get3A_74 : vector<1x128xf32> to vector<64x128xf32>
      %add3A_76 = arith.addf %dot_general3A_71, %add3A_75 : vector<64x128xf32>
      %get3A_77 = arith.constant 0 : index
      %get3A_78 = arith.constant 0 : index
      %get3A_79 = vector.load %arg11[%get3A_77, %get3A_78] : memref<128x128xf32, #tpu.memory_space<vmem>>, vector<128x128xf32>
      %dot_general3A_80 = arith.constant dense<0.000000e+00> : vector<64x128xf32>
      %dot_general3A_81 = tpu.matmul %add3A_76, %get3A_79, %dot_general3A_80 {dimension_numbers = #tpu.dot_dimension_numbers<[1], [1], [0], [0], [0, 0, 1, 0], [], []>, transpose_lhs_hint = false} : vector<64x128xf32>, vector<128x128xf32>, vector<64x128xf32> -> vector<64x128xf32>
      %get3A_82 = arith.constant 0 : index
      %get3A_83 = arith.constant 0 : index
      %get3A_84 = vector.load %arg12[%get3A_82, %get3A_83] : memref<1x128xf32, #tpu.memory_space<vmem>>, vector<1x128xf32>
      %add3A_85 = vector.broadcast %get3A_84 : vector<1x128xf32> to vector<64x128xf32>
      %add3A_86 = arith.addf %dot_general3A_81, %add3A_85 : vector<64x128xf32>
      %mul3A_87 = arith.constant 0.176776692 : f32
      %mul3A_88 = vector.broadcast %mul3A_87 : f32 to vector<64x128xf32>
      %mul3A_89 = arith.mulf %add3A_86, %mul3A_88 : vector<64x128xf32>
      %swap3A_90 = arith.constant 0 : index
      %swap3A_91 = arith.constant 0 : index
      %swap3A_92 = vector.load %arg14[%swap3A_90, %swap3A_91] : memref<64x128xf32, #tpu.memory_space<vmem>>, vector<64x128xf32>
      tpu.vector_store %arg14[%swap3A_90, %swap3A_91], %mul3A_89 {strides = array<i32>} : memref<64x128xf32, #tpu.memory_space<vmem>>, vector<64x128xf32>,
    } else {
    }
    return
  }
  func.func @transform_0(%arg0: i32) -> (i32, i32) {
    %c0_i32 = arith.constant 0 : i32
    %c0_i32_0 = arith.constant 0 : i32
    return %arg0, %c0_i32 : i32, i32
  }
  func.func @transform_1(%arg0: i32) -> (i32, i32) {
    %c0_i32 = arith.constant 0 : i32
    %c0_i32_0 = arith.constant 0 : i32
    %c0_i32_1 = arith.constant 0 : i32
    return %c0_i32, %c0_i32_0 : i32, i32
  }
  func.func @transform_2(%arg0: i32) -> (i32, i32) {
    %c0_i32 = arith.constant 0 : i32
    %c0_i32_0 = arith.constant 0 : i32
    %c0_i32_1 = arith.constant 0 : i32
    return %c0_i32, %c0_i32_0 : i32, i32
  }
  func.func @transform_3(%arg0: i32) -> (i32, i32) {
    %c0_i32 = arith.constant 0 : i32
    %c0_i32_0 = arith.constant 0 : i32
    %c0_i32_1 = arith.constant 0 : i32
    return %c0_i32, %c0_i32_0 : i32, i32
  }
  func.func @transform_4(%arg0: i32) -> (i32, i32) {
    %c0_i32 = arith.constant 0 : i32
    %c0_i32_0 = arith.constant 0 : i32
    %c0_i32_1 = arith.constant 0 : i32
    return %c0_i32, %c0_i32_0 : i32, i32
  }
  func.func @transform_5(%arg0: i32) -> (i32, i32) {
    %c0_i32 = arith.constant 0 : i32
    %c0_i32_0 = arith.constant 0 : i32
    %c0_i32_1 = arith.constant 0 : i32
    return %c0_i32, %c0_i32_0 : i32, i32
  }
  func.func @transform_6(%arg0: i32) -> (i32, i32) {
    %c0_i32 = arith.constant 0 : i32
    %c0_i32_0 = arith.constant 0 : i32
    %c0_i32_1 = arith.constant 0 : i32
    return %c0_i32, %c0_i32_0 : i32, i32
  }
  func.func @transform_7(%arg0: i32) -> (i32, i32) {
    %c0_i32 = arith.constant 0 : i32
    %c0_i32_0 = arith.constant 0 : i32
    %c0_i32_1 = arith.constant 0 : i32
    return %c0_i32, %c0_i32_0 : i32, i32
  }
  func.func @transform_8(%arg0: i32) -> (i32, i32) {
    %c0_i32 = arith.constant 0 : i32
    %c0_i32_0 = arith.constant 0 : i32
    %c0_i32_1 = arith.constant 0 : i32
    return %c0_i32, %c0_i32_0 : i32, i32
  }
  func.func @transform_9(%arg0: i32) -> (i32, i32) {
    %c0_i32 = arith.constant 0 : i32
    %c0_i32_0 = arith.constant 0 : i32
    %c0_i32_1 = arith.constant 0 : i32
    return %c0_i32, %c0_i32_0 : i32, i32
  }
  func.func @transform_10(%arg0: i32) -> (i32, i32) {
    %c0_i32 = arith.constant 0 : i32
    %c0_i32_0 = arith.constant 0 : i32
    %c0_i32_1 = arith.constant 0 : i32
    return %c0_i32, %c0_i32_0 : i32, i32
  }
  func.func @transform_11(%arg0: i32) -> (i32, i32) {
    %c0_i32 = arith.constant 0 : i32
    %c0_i32_0 = arith.constant 0 : i32
    %c0_i32_1 = arith.constant 0 : i32
    return %c0_i32, %c0_i32_0 : i32, i32
  }
  func.func @transform_12(%arg0: i32) -> (i32, i32) {
    %c0_i32 = arith.constant 0 : i32
    %c0_i32_0 = arith.constant 0 : i32
    return %arg0, %c0_i32 : i32, i32
  }
  func.func @transform_13(%arg0: i32) -> (i32, i32) {
    %c0_i32 = arith.constant 0 : i32
    %c0_i32_0 = arith.constant 0 : i32
    %c0_i32_1 = arith.constant 0 : i32
    return %c0_i32, %c0_i32_0 : i32, i32
  }
}

module attributes {stable_mosaic.version = 14 : i64} {
  func.func @_passa_body(%arg0: i32, %arg1: memref<4096xi32, #tpu.memory_space<smem>>, %arg2: memref<14xi32, #tpu.memory_space<smem>>, %arg3: memref<4096xi32, #tpu.memory_space<smem>>, %arg4: memref<8192x128xf32, #tpu.memory_space<vmem>>, %arg5: memref<1x8192xf32, #tpu.memory_space<vmem>>, %arg6: memref<4096x128xf32, #tpu.memory_space<vmem>>, %arg7: memref<64x128xf32, #tpu.memory_space<vmem>>, %arg8: memref<128x128xbf16, #tpu.memory_space<vmem>>, %arg9: memref<1x128xf32, #tpu.memory_space<vmem>>, %arg10: memref<128x128xbf16, #tpu.memory_space<vmem>>, %arg11: memref<1x128xf32, #tpu.memory_space<vmem>>, %arg12: memref<128x128xf32, #tpu.memory_space<vmem>>, %arg13: memref<1x128xf32, #tpu.memory_space<vmem>>, %arg14: memref<8192x128xbf16, #tpu.memory_space<vmem>>, %arg15: memref<64x8xf32, #tpu.memory_space<vmem>>, %arg16: memref<64x8xf32, #tpu.memory_space<vmem>>, %arg17: memref<64x128xf32, #tpu.memory_space<vmem>>, %arg18: memref<8192x128xf32, #tpu.memory_space<vmem>>, %arg19: memref<64x8xf32, #tpu.memory_space<vmem>>, %arg20: memref<64x8xf32, #tpu.memory_space<vmem>>, %arg21: memref<64x128xf32, #tpu.memory_space<vmem>>) attributes {dimension_semantics = [#tpu.dimension_semantics<arbitrary>], iteration_bounds = array<i64: 13>, scalar_prefetch = 3 : i64, scratch_operands = 4 : i64, tpu.core_type = #tpu.core_type<tc>, window_params = [{transform_indices = @transform_0, window_bounds = array<i64: 8192, 128>}, {transform_indices = @transform_1, window_bounds = array<i64: 1, 8192>}, {pipeline_mode = #tpu.pipeline_mode<synchronous>, transform_indices = @transform_2, window_bounds = array<i64: 4096, 128>}, {pipeline_mode = #tpu.pipeline_mode<synchronous>, transform_indices = @transform_3, window_bounds = array<i64: 64, 128>}, {pipeline_mode = #tpu.pipeline_mode<synchronous>, transform_indices = @transform_4, window_bounds = array<i64: 128, 128>}, {pipeline_mode = #tpu.pipeline_mode<synchronous>, transform_indices = @transform_5, window_bounds = array<i64: 1, 128>}, {pipeline_mode = #tpu.pipeline_mode<synchronous>, transform_indices = @transform_6, window_bounds = array<i64: 128, 128>}, {pipeline_mode = #tpu.pipeline_mode<synchronous>, transform_indices = @transform_7, window_bounds = array<i64: 1, 128>}, {pipeline_mode = #tpu.pipeline_mode<synchronous>, transform_indices = @transform_8, window_bounds = array<i64: 128, 128>}, {pipeline_mode = #tpu.pipeline_mode<synchronous>, transform_indices = @transform_9, window_bounds = array<i64: 1, 128>}, {transform_indices = @transform_10, window_bounds = array<i64: 8192, 128>}, {pipeline_mode = #tpu.pipeline_mode<synchronous>, transform_indices = @transform_11, window_bounds = array<i64: 64, 8>}, {pipeline_mode = #tpu.pipeline_mode<synchronous>, transform_indices = @transform_12, window_bounds = array<i64: 64, 8>}, {pipeline_mode = #tpu.pipeline_mode<synchronous>, transform_indices = @transform_13, window_bounds = array<i64: 64, 128>}]} {
    %eq3A = arith.constant 0 : i32
    %eq3A_0 = arith.cmpi eq, %arg0, %eq3A : i32
    %convert_element_type3A = arith.extui %eq3A_0 : i1 to i32
    %cond3A = arith.constant 0 : i32
    %cond3A_1 = arith.cmpi ne, %convert_element_type3A, %cond3A : i32
    scf.if %cond3A_1 {
      %broadcast_in_dim3A_252 = arith.constant -1.000000e+30 : f32
      %broadcast_in_dim3A_253 = vector.broadcast %broadcast_in_dim3A_252 : f32 to vector<64x8xf32>
      %swap3A_254 = arith.constant 0 : index
      %swap3A_255 = arith.constant 0 : index
      %swap3A_256 = vector.load %arg19[%swap3A_254, %swap3A_255] : memref<64x8xf32, #tpu.memory_space<vmem>>, vector<64x8xf32>
      tpu.vector_store %arg19[%swap3A_254, %swap3A_255], %broadcast_in_dim3A_253 {strides = array<i32>} : memref<64x8xf32, #tpu.memory_space<vmem>>, vector<64x8xf32>,
      %broadcast_in_dim3A_257 = arith.constant 0.000000e+00 : f32
      %broadcast_in_dim3A_258 = vector.broadcast %broadcast_in_dim3A_257 : f32 to vector<64x8xf32>
      %swap3A_259 = arith.constant 0 : index
      %swap3A_260 = arith.constant 0 : index
      %swap3A_261 = vector.load %arg20[%swap3A_259, %swap3A_260] : memref<64x8xf32, #tpu.memory_space<vmem>>, vector<64x8xf32>
      tpu.vector_store %arg20[%swap3A_259, %swap3A_260], %broadcast_in_dim3A_258 {strides = array<i32>} : memref<64x8xf32, #tpu.memory_space<vmem>>, vector<64x8xf32>,
      %broadcast_in_dim3A_262 = arith.constant 0.000000e+00 : f32
      %broadcast_in_dim3A_263 = vector.broadcast %broadcast_in_dim3A_262 : f32 to vector<64x128xf32>
      %swap3A_264 = arith.constant 0 : index
      %swap3A_265 = arith.constant 0 : index
      %swap3A_266 = vector.load %arg21[%swap3A_264, %swap3A_265] : memref<64x128xf32, #tpu.memory_space<vmem>>, vector<64x128xf32>
      tpu.vector_store %arg21[%swap3A_264, %swap3A_265], %broadcast_in_dim3A_263 {strides = array<i32>} : memref<64x128xf32, #tpu.memory_space<vmem>>, vector<64x128xf32>,
    } else {
    }
    %iota3A = tpu.iota {dimensions = array<i32: 0>} : vector<8192x128xi32>
    %mul3A = arith.constant 8192 : i32
    %mul3A_2 = arith.muli %arg0, %mul3A : i32
    %sub3A = arith.constant 100000 : i32
    %sub3A_3 = arith.subi %sub3A, %mul3A_2 : i32
    %lt3A = vector.broadcast %sub3A_3 : i32 to vector<8192x128xi32>
    %lt3A_4 = arith.cmpi slt, %iota3A, %lt3A : vector<8192x128xi32>
    %get3A = arith.constant 0 : index
    %get3A_5 = arith.constant 0 : index
    %get3A_6 = vector.load %arg4[%get3A, %get3A_5] : memref<8192x128xf32, #tpu.memory_space<vmem>>, vector<8192x128xf32>
    %jit3A = arith.constant 0.000000e+00 : f32
    %broadcast_in_dim3A = vector.broadcast %jit3A : f32 to vector<8192x128xf32>
    %select_n3A = arith.select %lt3A_4, %get3A_6, %broadcast_in_dim3A : vector<8192x128xi1>, vector<8192x128xf32>
    %swap3A = arith.constant 0 : index
    %swap3A_7 = arith.constant 0 : index
    %swap3A_8 = vector.load %arg18[%swap3A, %swap3A_7] : memref<8192x128xf32, #tpu.memory_space<vmem>>, vector<8192x128xf32>
    tpu.vector_store %arg18[%swap3A, %swap3A_7], %select_n3A {strides = array<i32>} : memref<8192x128xf32, #tpu.memory_space<vmem>>, vector<8192x128xf32>,
    %get3A_9 = arith.index_cast %arg0 : i32 to index
    %get3A_10 = memref.load %arg2[%get3A_9] : memref<14xi32, #tpu.memory_space<smem>>
    %add3A = arith.constant 1 : i32
    %add3A_11 = arith.addi %arg0, %add3A : i32
    %get3A_12 = arith.index_cast %add3A_11 : i32 to index
    %get3A_13 = memref.load %arg2[%get3A_12] : memref<14xi32, #tpu.memory_space<smem>>
    %while3A = arith.constant 0 : i32
    %while3A_14 = arith.subi %get3A_13, %get3A_10 : i32
    %while3A_15 = arith.addi %get3A_10, %while3A_14 : i32
    %while3A_16 = arith.constant 1 : i32
    %while3A_17 = arith.divsi %while3A_14, %while3A_16 : i32
    %while3A_18 = arith.muli %while3A_17, %while3A_16 : i32
    %while3A_19 = arith.addi %get3A_10, %while3A_18 : i32
    %while3A_20 = arith.constant 1 : i32
    scf.for %while3A_252 = %get3A_10 to %while3A_19 step %while3A_20  : i32 {
      %get3A_253 = arith.index_cast %while3A_252 : i32 to index
      %get3A_254 = memref.load %arg1[%get3A_253] : memref<4096xi32, #tpu.memory_space<smem>>
      %mul3A_255 = arith.constant 8192 : i32
      %mul3A_256 = arith.muli %arg0, %mul3A_255 : i32
      %sub3A_257 = arith.subi %get3A_254, %mul3A_256 : i32
      %get3A_258 = arith.index_cast %while3A_252 : i32 to index
      %get3A_259 = memref.load %arg3[%get3A_258] : memref<4096xi32, #tpu.memory_space<smem>>
      %get3A_260 = arith.index_cast %get3A_259 : i32 to index
      %get3A_261 = arith.constant 0 : index
      %get3A_262 = vector.load %arg6[%get3A_260, %get3A_261] : memref<4096x128xf32, #tpu.memory_space<vmem>>, vector<1x128xf32>
      %swap3A_263 = arith.index_cast %sub3A_257 : i32 to index
      %swap3A_264 = arith.constant 0 : index
      %swap3A_265 = vector.load %arg18[%swap3A_263, %swap3A_264] : memref<8192x128xf32, #tpu.memory_space<vmem>>, vector<1x128xf32>
      tpu.vector_store %arg18[%swap3A_263, %swap3A_264], %get3A_262 {strides = array<i32>} : memref<8192x128xf32, #tpu.memory_space<vmem>>, vector<1x128xf32>,
    }
    %while3A_21 = arith.constant 1 : i32
    scf.for %while3A_252 = %while3A_19 to %while3A_15 step %while3A_21  : i32 {
      %get3A_253 = arith.index_cast %while3A_252 : i32 to index
      %get3A_254 = memref.load %arg1[%get3A_253] : memref<4096xi32, #tpu.memory_space<smem>>
      %mul3A_255 = arith.constant 8192 : i32
      %mul3A_256 = arith.muli %arg0, %mul3A_255 : i32
      %sub3A_257 = arith.subi %get3A_254, %mul3A_256 : i32
      %get3A_258 = arith.index_cast %while3A_252 : i32 to index
      %get3A_259 = memref.load %arg3[%get3A_258] : memref<4096xi32, #tpu.memory_space<smem>>
      %get3A_260 = arith.index_cast %get3A_259 : i32 to index
      %get3A_261 = arith.constant 0 : index
      %get3A_262 = vector.load %arg6[%get3A_260, %get3A_261] : memref<4096x128xf32, #tpu.memory_space<vmem>>, vector<1x128xf32>
      %swap3A_263 = arith.index_cast %sub3A_257 : i32 to index
      %swap3A_264 = arith.constant 0 : index
      %swap3A_265 = vector.load %arg18[%swap3A_263, %swap3A_264] : memref<8192x128xf32, #tpu.memory_space<vmem>>, vector<1x128xf32>
      tpu.vector_store %arg18[%swap3A_263, %swap3A_264], %get3A_262 {strides = array<i32>} : memref<8192x128xf32, #tpu.memory_space<vmem>>, vector<1x128xf32>,
    }
    %get3A_22 = arith.constant 0 : index
    %get3A_23 = arith.constant 0 : index
    %get3A_24 = vector.load %arg18[%get3A_22, %get3A_23] : memref<8192x128xf32, #tpu.memory_space<vmem>>, vector<8192x128xf32>
    %convert_element_type3A_25 = arith.truncf %get3A_24 : vector<8192x128xf32> to vector<8192x128xbf16>
    %get3A_26 = arith.constant 0 : index
    %get3A_27 = arith.constant 0 : index
    %get3A_28 = vector.load %arg8[%get3A_26, %get3A_27] : memref<128x128xbf16, #tpu.memory_space<vmem>>, vector<128x128xbf16>
    %dot_general3A = arith.constant dense<0.000000e+00> : vector<8192x128xf32>
    %dot_general3A_29 = tpu.matmul %convert_element_type3A_25, %get3A_28, %dot_general3A {dimension_numbers = #tpu.dot_dimension_numbers<[1], [1], [0], [0], [0, 0, 1, 0], [], []>, transpose_lhs_hint = false} : vector<8192x128xbf16>, vector<128x128xbf16>, vector<8192x128xf32> -> vector<8192x128xf32>
    %get3A_30 = arith.constant 0 : index
    %get3A_31 = arith.constant 0 : index
    %get3A_32 = vector.load %arg9[%get3A_30, %get3A_31] : memref<1x128xf32, #tpu.memory_space<vmem>>, vector<1x128xf32>
    %add3A_33 = vector.broadcast %get3A_32 : vector<1x128xf32> to vector<8192x128xf32>
    %add3A_34 = arith.addf %dot_general3A_29, %add3A_33 : vector<8192x128xf32>
    %convert_element_type3A_35 = arith.truncf %add3A_34 : vector<8192x128xf32> to vector<8192x128xbf16>
    %swap3A_36 = arith.constant 0 : index
    %swap3A_37 = arith.constant 0 : index
    %swap3A_38 = vector.load %arg14[%swap3A_36, %swap3A_37] : memref<8192x128xbf16, #tpu.memory_space<vmem>>, vector<8192x128xbf16>
    tpu.vector_store %arg14[%swap3A_36, %swap3A_37], %convert_element_type3A_35 {strides = array<i32>} : memref<8192x128xbf16, #tpu.memory_space<vmem>>, vector<8192x128xbf16>,
    %get3A_39 = arith.constant 0 : index
    %get3A_40 = arith.constant 0 : index
    %get3A_41 = vector.load %arg10[%get3A_39, %get3A_40] : memref<128x128xbf16, #tpu.memory_space<vmem>>, vector<128x128xbf16>
    %dot_general3A_42 = arith.constant dense<0.000000e+00> : vector<8192x128xf32>
    %dot_general3A_43 = tpu.matmul %convert_element_type3A_25, %get3A_41, %dot_general3A_42 {dimension_numbers = #tpu.dot_dimension_numbers<[1], [1], [0], [0], [0, 0, 1, 0], [], []>, transpose_lhs_hint = false} : vector<8192x128xbf16>, vector<128x128xbf16>, vector<8192x128xf32> -> vector<8192x128xf32>
    %get3A_44 = arith.constant 0 : index
    %get3A_45 = arith.constant 0 : index
    %get3A_46 = vector.load %arg11[%get3A_44, %get3A_45] : memref<1x128xf32, #tpu.memory_space<vmem>>, vector<1x128xf32>
    %add3A_47 = vector.broadcast %get3A_46 : vector<1x128xf32> to vector<8192x128xf32>
    %add3A_48 = arith.addf %dot_general3A_43, %add3A_47 : vector<8192x128xf32>
    %convert_element_type3A_49 = arith.truncf %add3A_48 : vector<8192x128xf32> to vector<8192x128xbf16>
    %mul3A_50 = arith.constant 8192 : i32
    %mul3A_51 = arith.muli %arg0, %mul3A_50 : i32
    %iota3A_52 = tpu.iota {dimensions = array<i32: 1>} : vector<1x8192xi32>
    %add3A_53 = vector.broadcast %mul3A_51 : i32 to vector<1x8192xi32>
    %add3A_54 = arith.addi %add3A_53, %iota3A_52 : vector<1x8192xi32>
    %get3A_55 = arith.constant 0 : index
    %get3A_56 = arith.constant 0 : index
    %get3A_57 = vector.load %arg5[%get3A_55, %get3A_56] : memref<1x8192xf32, #tpu.memory_space<vmem>>, vector<1x8192xf32>
    %lt3A_58 = arith.constant 1.000000e-01 : f32
    %lt3A_59 = vector.broadcast %lt3A_58 : f32 to vector<1x8192xf32>
    %lt3A_60 = arith.cmpf olt, %get3A_57, %lt3A_59 : vector<1x8192xf32>
    %ge3A = arith.constant 100000 : i32
    %ge3A_61 = vector.broadcast %ge3A : i32 to vector<1x8192xi32>
    %ge3A_62 = arith.cmpi sge, %add3A_54, %ge3A_61 : vector<1x8192xi32>
    %or3A = arith.ori %lt3A_60, %ge3A_62 : vector<1x8192xi1>
    %jit3A_63 = arith.constant -1.000000e+09 : f32
    %jit3A_64 = arith.constant 0.000000e+00 : f32
    %broadcast_in_dim3A_65 = vector.broadcast %jit3A_63 : f32 to vector<1x8192xf32>
    %broadcast_in_dim3A_66 = vector.broadcast %jit3A_64 : f32 to vector<1x8192xf32>
    %select_n3A_67 = arith.select %or3A, %broadcast_in_dim3A_65, %broadcast_in_dim3A_66 : vector<1x8192xi1>, vector<1x8192xf32>
    %get3A_68 = arith.constant 0 : index
    %get3A_69 = arith.constant 0 : index
    %get3A_70 = vector.load %arg7[%get3A_68, %get3A_69] : memref<64x128xf32, #tpu.memory_space<vmem>>, vector<64x128xf32>
    %convert_element_type3A_71 = arith.truncf %get3A_70 : vector<64x128xf32> to vector<64x128xbf16>
    %slice3A = vector.extract_strided_slice %convert_element_type3A_71 {offsets = [0, 0], sizes = [64, 32], strides = [1, 1]} : vector<64x128xbf16> to vector<64x32xbf16>
    %slice3A_72 = vector.extract_strided_slice %convert_element_type3A_35 {offsets = [0, 0], sizes = [8192, 32], strides = [1, 1]} : vector<8192x128xbf16> to vector<8192x32xbf16>
    %dot_general3A_73 = arith.constant dense<0.000000e+00> : vector<64x8192xf32>
    %dot_general3A_74 = tpu.matmul %slice3A, %slice3A_72, %dot_general3A_73 {dimension_numbers = #tpu.dot_dimension_numbers<[1], [1], [0], [0], [0, 0, 1, 0], [], []>, transpose_lhs_hint = false} : vector<64x32xbf16>, vector<8192x32xbf16>, vector<64x8192xf32> -> vector<64x8192xf32>
    %add3A_75 = vector.broadcast %select_n3A_67 : vector<1x8192xf32> to vector<64x8192xf32>
    %add3A_76 = arith.addf %dot_general3A_74, %add3A_75 : vector<64x8192xf32>
    %get3A_77 = arith.constant 0 : index
    %get3A_78 = arith.constant 0 : index
    %get3A_79 = vector.load %arg19[%get3A_77, %get3A_78] : memref<64x8xf32, #tpu.memory_space<vmem>>, vector<64x1xf32>
    %reduce_max3A = arith.constant dense<0xFF800000> : vector<64xf32>
    %reduce_max3A_80 = vector.multi_reduction <maximumf>, %add3A_76, %reduce_max3A [1] : vector<64x8192xf32> to vector<64xf32>
    %broadcast_in_dim3A_81 = vector.shape_cast %reduce_max3A_80 : vector<64xf32> to vector<64x1xf32>
    %max3A = arith.maximumf %get3A_79, %broadcast_in_dim3A_81 : vector<64x1xf32>
    %sub3A_82 = arith.subf %get3A_79, %max3A : vector<64x1xf32>
    %exp3A = math.exp %sub3A_82 : vector<64x1xf32>
    %sub3A_83 = vector.broadcast %max3A : vector<64x1xf32> to vector<64x8192xf32>
    %sub3A_84 = arith.subf %add3A_76, %sub3A_83 : vector<64x8192xf32>
    %exp3A_85 = math.exp %sub3A_84 : vector<64x8192xf32>
    %get3A_86 = arith.constant 0 : index
    %get3A_87 = arith.constant 0 : index
    %get3A_88 = vector.load %arg20[%get3A_86, %get3A_87] : memref<64x8xf32, #tpu.memory_space<vmem>>, vector<64x1xf32>
    %mul3A_89 = arith.mulf %get3A_88, %exp3A : vector<64x1xf32>
    %reduce_sum3A = arith.constant dense<0.000000e+00> : vector<64xf32>
    %reduce_sum3A_90 = vector.multi_reduction <add>, %exp3A_85, %reduce_sum3A [1] : vector<64x8192xf32> to vector<64xf32>
    %broadcast_in_dim3A_91 = vector.shape_cast %reduce_sum3A_90 : vector<64xf32> to vector<64x1xf32>
    %add3A_92 = arith.addf %mul3A_89, %broadcast_in_dim3A_91 : vector<64x1xf32>
    %swap3A_93 = arith.constant 0 : index
    %swap3A_94 = arith.constant 0 : index
    %swap3A_95 = vector.load %arg20[%swap3A_93, %swap3A_94] : memref<64x8xf32, #tpu.memory_space<vmem>>, vector<64x1xf32>
    tpu.vector_store %arg20[%swap3A_93, %swap3A_94], %add3A_92 {strides = array<i32>} : memref<64x8xf32, #tpu.memory_space<vmem>>, vector<64x1xf32>,
    %get3A_96 = arith.constant 0 : index
    %get3A_97 = arith.constant 0 : index
    %get3A_98 = vector.load %arg21[%get3A_96, %get3A_97] : memref<64x128xf32, #tpu.memory_space<vmem>>, vector<64x32xf32>
    %mul3A_99 = vector.broadcast %exp3A : vector<64x1xf32> to vector<64x32xf32>
    %mul3A_100 = arith.mulf %get3A_98, %mul3A_99 : vector<64x32xf32>
    %convert_element_type3A_101 = arith.truncf %exp3A_85 : vector<64x8192xf32> to vector<64x8192xbf16>
    %slice3A_102 = vector.extract_strided_slice %convert_element_type3A_49 {offsets = [0, 0], sizes = [8192, 32], strides = [1, 1]} : vector<8192x128xbf16> to vector<8192x32xbf16>
    %dot_general3A_103 = arith.constant dense<0.000000e+00> : vector<64x32xf32>
    %dot_general3A_104 = tpu.matmul %convert_element_type3A_101, %slice3A_102, %dot_general3A_103 {dimension_numbers = #tpu.dot_dimension_numbers<[1], [0], [0], [1], [0, 0, 1, 1], [], []>, transpose_lhs_hint = false} : vector<64x8192xbf16>, vector<8192x32xbf16>, vector<64x32xf32> -> vector<64x32xf32>
    %add3A_105 = arith.addf %mul3A_100, %dot_general3A_104 : vector<64x32xf32>
    %swap3A_106 = arith.constant 0 : index
    %swap3A_107 = arith.constant 0 : index
    %swap3A_108 = vector.load %arg21[%swap3A_106, %swap3A_107] : memref<64x128xf32, #tpu.memory_space<vmem>>, vector<64x32xf32>
    tpu.vector_store %arg21[%swap3A_106, %swap3A_107], %add3A_105 {strides = array<i32>} : memref<64x128xf32, #tpu.memory_space<vmem>>, vector<64x32xf32>,
    %swap3A_109 = arith.constant 0 : index
    %swap3A_110 = arith.constant 0 : index
    %swap3A_111 = vector.load %arg19[%swap3A_109, %swap3A_110] : memref<64x8xf32, #tpu.memory_space<vmem>>, vector<64x1xf32>
    tpu.vector_store %arg19[%swap3A_109, %swap3A_110], %max3A {strides = array<i32>} : memref<64x8xf32, #tpu.memory_space<vmem>>, vector<64x1xf32>,
    %slice3A_112 = vector.extract_strided_slice %convert_element_type3A_71 {offsets = [0, 32], sizes = [64, 32], strides = [1, 1]} : vector<64x128xbf16> to vector<64x32xbf16>
    %slice3A_113 = vector.extract_strided_slice %convert_element_type3A_35 {offsets = [0, 32], sizes = [8192, 32], strides = [1, 1]} : vector<8192x128xbf16> to vector<8192x32xbf16>
    %dot_general3A_114 = arith.constant dense<0.000000e+00> : vector<64x8192xf32>
    %dot_general3A_115 = tpu.matmul %slice3A_112, %slice3A_113, %dot_general3A_114 {dimension_numbers = #tpu.dot_dimension_numbers<[1], [1], [0], [0], [0, 0, 1, 0], [], []>, transpose_lhs_hint = false} : vector<64x32xbf16>, vector<8192x32xbf16>, vector<64x8192xf32> -> vector<64x8192xf32>
    %add3A_116 = vector.broadcast %select_n3A_67 : vector<1x8192xf32> to vector<64x8192xf32>
    %add3A_117 = arith.addf %dot_general3A_115, %add3A_116 : vector<64x8192xf32>
    %get3A_118 = arith.constant 0 : index
    %get3A_119 = arith.constant 1 : index
    %get3A_120 = vector.load %arg19[%get3A_118, %get3A_119] : memref<64x8xf32, #tpu.memory_space<vmem>>, vector<64x1xf32>
    %reduce_max3A_121 = arith.constant dense<0xFF800000> : vector<64xf32>
    %reduce_max3A_122 = vector.multi_reduction <maximumf>, %add3A_117, %reduce_max3A_121 [1] : vector<64x8192xf32> to vector<64xf32>
    %broadcast_in_dim3A_123 = vector.shape_cast %reduce_max3A_122 : vector<64xf32> to vector<64x1xf32>
    %max3A_124 = arith.maximumf %get3A_120, %broadcast_in_dim3A_123 : vector<64x1xf32>
    %sub3A_125 = arith.subf %get3A_120, %max3A_124 : vector<64x1xf32>
    %exp3A_126 = math.exp %sub3A_125 : vector<64x1xf32>
    %sub3A_127 = vector.broadcast %max3A_124 : vector<64x1xf32> to vector<64x8192xf32>
    %sub3A_128 = arith.subf %add3A_117, %sub3A_127 : vector<64x8192xf32>
    %exp3A_129 = math.exp %sub3A_128 : vector<64x8192xf32>
    %get3A_130 = arith.constant 0 : index
    %get3A_131 = arith.constant 1 : index
    %get3A_132 = vector.load %arg20[%get3A_130, %get3A_131] : memref<64x8xf32, #tpu.memory_space<vmem>>, vector<64x1xf32>
    %mul3A_133 = arith.mulf %get3A_132, %exp3A_126 : vector<64x1xf32>
    %reduce_sum3A_134 = arith.constant dense<0.000000e+00> : vector<64xf32>
    %reduce_sum3A_135 = vector.multi_reduction <add>, %exp3A_129, %reduce_sum3A_134 [1] : vector<64x8192xf32> to vector<64xf32>
    %broadcast_in_dim3A_136 = vector.shape_cast %reduce_sum3A_135 : vector<64xf32> to vector<64x1xf32>
    %add3A_137 = arith.addf %mul3A_133, %broadcast_in_dim3A_136 : vector<64x1xf32>
    %swap3A_138 = arith.constant 0 : index
    %swap3A_139 = arith.constant 1 : index
    %swap3A_140 = vector.load %arg20[%swap3A_138, %swap3A_139] : memref<64x8xf32, #tpu.memory_space<vmem>>, vector<64x1xf32>
    tpu.vector_store %arg20[%swap3A_138, %swap3A_139], %add3A_137 {strides = array<i32>} : memref<64x8xf32, #tpu.memory_space<vmem>>, vector<64x1xf32>,
    %get3A_141 = arith.constant 0 : index
    %get3A_142 = arith.constant 32 : index
    %get3A_143 = vector.load %arg21[%get3A_141, %get3A_142] : memref<64x128xf32, #tpu.memory_space<vmem>>, vector<64x32xf32>
    %mul3A_144 = vector.broadcast %exp3A_126 : vector<64x1xf32> to vector<64x32xf32>
    %mul3A_145 = arith.mulf %get3A_143, %mul3A_144 : vector<64x32xf32>
    %convert_element_type3A_146 = arith.truncf %exp3A_129 : vector<64x8192xf32> to vector<64x8192xbf16>
    %slice3A_147 = vector.extract_strided_slice %convert_element_type3A_49 {offsets = [0, 32], sizes = [8192, 32], strides = [1, 1]} : vector<8192x128xbf16> to vector<8192x32xbf16>
    %dot_general3A_148 = arith.constant dense<0.000000e+00> : vector<64x32xf32>
    %dot_general3A_149 = tpu.matmul %convert_element_type3A_146, %slice3A_147, %dot_general3A_148 {dimension_numbers = #tpu.dot_dimension_numbers<[1], [0], [0], [1], [0, 0, 1, 1], [], []>, transpose_lhs_hint = false} : vector<64x8192xbf16>, vector<8192x32xbf16>, vector<64x32xf32> -> vector<64x32xf32>
    %add3A_150 = arith.addf %mul3A_145, %dot_general3A_149 : vector<64x32xf32>
    %swap3A_151 = arith.constant 0 : index
    %swap3A_152 = arith.constant 32 : index
    %swap3A_153 = vector.load %arg21[%swap3A_151, %swap3A_152] : memref<64x128xf32, #tpu.memory_space<vmem>>, vector<64x32xf32>
    tpu.vector_store %arg21[%swap3A_151, %swap3A_152], %add3A_150 {strides = array<i32>} : memref<64x128xf32, #tpu.memory_space<vmem>>, vector<64x32xf32>,
    %swap3A_154 = arith.constant 0 : index
    %swap3A_155 = arith.constant 1 : index
    %swap3A_156 = vector.load %arg19[%swap3A_154, %swap3A_155] : memref<64x8xf32, #tpu.memory_space<vmem>>, vector<64x1xf32>
    tpu.vector_store %arg19[%swap3A_154, %swap3A_155], %max3A_124 {strides = array<i32>} : memref<64x8xf32, #tpu.memory_space<vmem>>, vector<64x1xf32>,
    %slice3A_157 = vector.extract_strided_slice %convert_element_type3A_71 {offsets = [0, 64], sizes = [64, 32], strides = [1, 1]} : vector<64x128xbf16> to vector<64x32xbf16>
    %slice3A_158 = vector.extract_strided_slice %convert_element_type3A_35 {offsets = [0, 64], sizes = [8192, 32], strides = [1, 1]} : vector<8192x128xbf16> to vector<8192x32xbf16>
    %dot_general3A_159 = arith.constant dense<0.000000e+00> : vector<64x8192xf32>
    %dot_general3A_160 = tpu.matmul %slice3A_157, %slice3A_158, %dot_general3A_159 {dimension_numbers = #tpu.dot_dimension_numbers<[1], [1], [0], [0], [0, 0, 1, 0], [], []>, transpose_lhs_hint = false} : vector<64x32xbf16>, vector<8192x32xbf16>, vector<64x8192xf32> -> vector<64x8192xf32>
    %add3A_161 = vector.broadcast %select_n3A_67 : vector<1x8192xf32> to vector<64x8192xf32>
    %add3A_162 = arith.addf %dot_general3A_160, %add3A_161 : vector<64x8192xf32>
    %get3A_163 = arith.constant 0 : index
    %get3A_164 = arith.constant 2 : index
    %get3A_165 = vector.load %arg19[%get3A_163, %get3A_164] : memref<64x8xf32, #tpu.memory_space<vmem>>, vector<64x1xf32>
    %reduce_max3A_166 = arith.constant dense<0xFF800000> : vector<64xf32>
    %reduce_max3A_167 = vector.multi_reduction <maximumf>, %add3A_162, %reduce_max3A_166 [1] : vector<64x8192xf32> to vector<64xf32>
    %broadcast_in_dim3A_168 = vector.shape_cast %reduce_max3A_167 : vector<64xf32> to vector<64x1xf32>
    %max3A_169 = arith.maximumf %get3A_165, %broadcast_in_dim3A_168 : vector<64x1xf32>
    %sub3A_170 = arith.subf %get3A_165, %max3A_169 : vector<64x1xf32>
    %exp3A_171 = math.exp %sub3A_170 : vector<64x1xf32>
    %sub3A_172 = vector.broadcast %max3A_169 : vector<64x1xf32> to vector<64x8192xf32>
    %sub3A_173 = arith.subf %add3A_162, %sub3A_172 : vector<64x8192xf32>
    %exp3A_174 = math.exp %sub3A_173 : vector<64x8192xf32>
    %get3A_175 = arith.constant 0 : index
    %get3A_176 = arith.constant 2 : index
    %get3A_177 = vector.load %arg20[%get3A_175, %get3A_176] : memref<64x8xf32, #tpu.memory_space<vmem>>, vector<64x1xf32>
    %mul3A_178 = arith.mulf %get3A_177, %exp3A_171 : vector<64x1xf32>
    %reduce_sum3A_179 = arith.constant dense<0.000000e+00> : vector<64xf32>
    %reduce_sum3A_180 = vector.multi_reduction <add>, %exp3A_174, %reduce_sum3A_179 [1] : vector<64x8192xf32> to vector<64xf32>
    %broadcast_in_dim3A_181 = vector.shape_cast %reduce_sum3A_180 : vector<64xf32> to vector<64x1xf32>
    %add3A_182 = arith.addf %mul3A_178, %broadcast_in_dim3A_181 : vector<64x1xf32>
    %swap3A_183 = arith.constant 0 : index
    %swap3A_184 = arith.constant 2 : index
    %swap3A_185 = vector.load %arg20[%swap3A_183, %swap3A_184] : memref<64x8xf32, #tpu.memory_space<vmem>>, vector<64x1xf32>
    tpu.vector_store %arg20[%swap3A_183, %swap3A_184], %add3A_182 {strides = array<i32>} : memref<64x8xf32, #tpu.memory_space<vmem>>, vector<64x1xf32>,
    %get3A_186 = arith.constant 0 : index
    %get3A_187 = arith.constant 64 : index
    %get3A_188 = vector.load %arg21[%get3A_186, %get3A_187] : memref<64x128xf32, #tpu.memory_space<vmem>>, vector<64x32xf32>
    %mul3A_189 = vector.broadcast %exp3A_171 : vector<64x1xf32> to vector<64x32xf32>
    %mul3A_190 = arith.mulf %get3A_188, %mul3A_189 : vector<64x32xf32>
    %convert_element_type3A_191 = arith.truncf %exp3A_174 : vector<64x8192xf32> to vector<64x8192xbf16>
    %slice3A_192 = vector.extract_strided_slice %convert_element_type3A_49 {offsets = [0, 64], sizes = [8192, 32], strides = [1, 1]} : vector<8192x128xbf16> to vector<8192x32xbf16>
    %dot_general3A_193 = arith.constant dense<0.000000e+00> : vector<64x32xf32>
    %dot_general3A_194 = tpu.matmul %convert_element_type3A_191, %slice3A_192, %dot_general3A_193 {dimension_numbers = #tpu.dot_dimension_numbers<[1], [0], [0], [1], [0, 0, 1, 1], [], []>, transpose_lhs_hint = false} : vector<64x8192xbf16>, vector<8192x32xbf16>, vector<64x32xf32> -> vector<64x32xf32>
    %add3A_195 = arith.addf %mul3A_190, %dot_general3A_194 : vector<64x32xf32>
    %swap3A_196 = arith.constant 0 : index
    %swap3A_197 = arith.constant 64 : index
    %swap3A_198 = vector.load %arg21[%swap3A_196, %swap3A_197] : memref<64x128xf32, #tpu.memory_space<vmem>>, vector<64x32xf32>
    tpu.vector_store %arg21[%swap3A_196, %swap3A_197], %add3A_195 {strides = array<i32>} : memref<64x128xf32, #tpu.memory_space<vmem>>, vector<64x32xf32>,
    %swap3A_199 = arith.constant 0 : index
    %swap3A_200 = arith.constant 2 : index
    %swap3A_201 = vector.load %arg19[%swap3A_199, %swap3A_200] : memref<64x8xf32, #tpu.memory_space<vmem>>, vector<64x1xf32>
    tpu.vector_store %arg19[%swap3A_199, %swap3A_200], %max3A_169 {strides = array<i32>} : memref<64x8xf32, #tpu.memory_space<vmem>>, vector<64x1xf32>,
    %slice3A_202 = vector.extract_strided_slice %convert_element_type3A_71 {offsets = [0, 96], sizes = [64, 32], strides = [1, 1]} : vector<64x128xbf16> to vector<64x32xbf16>
    %slice3A_203 = vector.extract_strided_slice %convert_element_type3A_35 {offsets = [0, 96], sizes = [8192, 32], strides = [1, 1]} : vector<8192x128xbf16> to vector<8192x32xbf16>
    %dot_general3A_204 = arith.constant dense<0.000000e+00> : vector<64x8192xf32>
    %dot_general3A_205 = tpu.matmul %slice3A_202, %slice3A_203, %dot_general3A_204 {dimension_numbers = #tpu.dot_dimension_numbers<[1], [1], [0], [0], [0, 0, 1, 0], [], []>, transpose_lhs_hint = false} : vector<64x32xbf16>, vector<8192x32xbf16>, vector<64x8192xf32> -> vector<64x8192xf32>
    %add3A_206 = vector.broadcast %select_n3A_67 : vector<1x8192xf32> to vector<64x8192xf32>
    %add3A_207 = arith.addf %dot_general3A_205, %add3A_206 : vector<64x8192xf32>
    %get3A_208 = arith.constant 0 : index
    %get3A_209 = arith.constant 3 : index
    %get3A_210 = vector.load %arg19[%get3A_208, %get3A_209] : memref<64x8xf32, #tpu.memory_space<vmem>>, vector<64x1xf32>
    %reduce_max3A_211 = arith.constant dense<0xFF800000> : vector<64xf32>
    %reduce_max3A_212 = vector.multi_reduction <maximumf>, %add3A_207, %reduce_max3A_211 [1] : vector<64x8192xf32> to vector<64xf32>
    %broadcast_in_dim3A_213 = vector.shape_cast %reduce_max3A_212 : vector<64xf32> to vector<64x1xf32>
    %max3A_214 = arith.maximumf %get3A_210, %broadcast_in_dim3A_213 : vector<64x1xf32>
    %sub3A_215 = arith.subf %get3A_210, %max3A_214 : vector<64x1xf32>
    %exp3A_216 = math.exp %sub3A_215 : vector<64x1xf32>
    %sub3A_217 = vector.broadcast %max3A_214 : vector<64x1xf32> to vector<64x8192xf32>
    %sub3A_218 = arith.subf %add3A_207, %sub3A_217 : vector<64x8192xf32>
    %exp3A_219 = math.exp %sub3A_218 : vector<64x8192xf32>
    %get3A_220 = arith.constant 0 : index
    %get3A_221 = arith.constant 3 : index
    %get3A_222 = vector.load %arg20[%get3A_220, %get3A_221] : memref<64x8xf32, #tpu.memory_space<vmem>>, vector<64x1xf32>
    %mul3A_223 = arith.mulf %get3A_222, %exp3A_216 : vector<64x1xf32>
    %reduce_sum3A_224 = arith.constant dense<0.000000e+00> : vector<64xf32>
    %reduce_sum3A_225 = vector.multi_reduction <add>, %exp3A_219, %reduce_sum3A_224 [1] : vector<64x8192xf32> to vector<64xf32>
    %broadcast_in_dim3A_226 = vector.shape_cast %reduce_sum3A_225 : vector<64xf32> to vector<64x1xf32>
    %add3A_227 = arith.addf %mul3A_223, %broadcast_in_dim3A_226 : vector<64x1xf32>
    %swap3A_228 = arith.constant 0 : index
    %swap3A_229 = arith.constant 3 : index
    %swap3A_230 = vector.load %arg20[%swap3A_228, %swap3A_229] : memref<64x8xf32, #tpu.memory_space<vmem>>, vector<64x1xf32>
    tpu.vector_store %arg20[%swap3A_228, %swap3A_229], %add3A_227 {strides = array<i32>} : memref<64x8xf32, #tpu.memory_space<vmem>>, vector<64x1xf32>,
    %get3A_231 = arith.constant 0 : index
    %get3A_232 = arith.constant 96 : index
    %get3A_233 = vector.load %arg21[%get3A_231, %get3A_232] : memref<64x128xf32, #tpu.memory_space<vmem>>, vector<64x32xf32>
    %mul3A_234 = vector.broadcast %exp3A_216 : vector<64x1xf32> to vector<64x32xf32>
    %mul3A_235 = arith.mulf %get3A_233, %mul3A_234 : vector<64x32xf32>
    %convert_element_type3A_236 = arith.truncf %exp3A_219 : vector<64x8192xf32> to vector<64x8192xbf16>
    %slice3A_237 = vector.extract_strided_slice %convert_element_type3A_49 {offsets = [0, 96], sizes = [8192, 32], strides = [1, 1]} : vector<8192x128xbf16> to vector<8192x32xbf16>
    %dot_general3A_238 = arith.constant dense<0.000000e+00> : vector<64x32xf32>
    %dot_general3A_239 = tpu.matmul %convert_element_type3A_236, %slice3A_237, %dot_general3A_238 {dimension_numbers = #tpu.dot_dimension_numbers<[1], [0], [0], [1], [0, 0, 1, 1], [], []>, transpose_lhs_hint = false} : vector<64x8192xbf16>, vector<8192x32xbf16>, vector<64x32xf32> -> vector<64x32xf32>
    %add3A_240 = arith.addf %mul3A_235, %dot_general3A_239 : vector<64x32xf32>
    %swap3A_241 = arith.constant 0 : index
    %swap3A_242 = arith.constant 96 : index
    %swap3A_243 = vector.load %arg21[%swap3A_241, %swap3A_242] : memref<64x128xf32, #tpu.memory_space<vmem>>, vector<64x32xf32>
    tpu.vector_store %arg21[%swap3A_241, %swap3A_242], %add3A_240 {strides = array<i32>} : memref<64x128xf32, #tpu.memory_space<vmem>>, vector<64x32xf32>,
    %swap3A_244 = arith.constant 0 : index
    %swap3A_245 = arith.constant 3 : index
    %swap3A_246 = vector.load %arg19[%swap3A_244, %swap3A_245] : memref<64x8xf32, #tpu.memory_space<vmem>>, vector<64x1xf32>
    tpu.vector_store %arg19[%swap3A_244, %swap3A_245], %max3A_214 {strides = array<i32>} : memref<64x8xf32, #tpu.memory_space<vmem>>, vector<64x1xf32>,
    %eq3A_247 = arith.constant 12 : i32
    %eq3A_248 = arith.cmpi eq, %arg0, %eq3A_247 : i32
    %convert_element_type3A_249 = arith.extui %eq3A_248 : i1 to i32
    %cond3A_250 = arith.constant 0 : i32
    %cond3A_251 = arith.cmpi ne, %convert_element_type3A_249, %cond3A_250 : i32
    scf.if %cond3A_251 {
      %get3A_252 = arith.constant 0 : index
      %get3A_253 = arith.constant 0 : index
      %get3A_254 = vector.load %arg20[%get3A_252, %get3A_253] : memref<64x8xf32, #tpu.memory_space<vmem>>, vector<64x1xf32>
      %broadcast_in_dim3A_255 = vector.shape_cast %get3A_254 : vector<64x1xf32> to vector<64x1xf32>
      %broadcast_in_dim3A_256 = vector.broadcast %broadcast_in_dim3A_255 : vector<64x1xf32> to vector<64x32xf32>
      %get3A_257 = arith.constant 0 : index
      %get3A_258 = arith.constant 1 : index
      %get3A_259 = vector.load %arg20[%get3A_257, %get3A_258] : memref<64x8xf32, #tpu.memory_space<vmem>>, vector<64x1xf32>
      %broadcast_in_dim3A_260 = vector.shape_cast %get3A_259 : vector<64x1xf32> to vector<64x1xf32>
      %broadcast_in_dim3A_261 = vector.broadcast %broadcast_in_dim3A_260 : vector<64x1xf32> to vector<64x32xf32>
      %get3A_262 = arith.constant 0 : index
      %get3A_263 = arith.constant 2 : index
      %get3A_264 = vector.load %arg20[%get3A_262, %get3A_263] : memref<64x8xf32, #tpu.memory_space<vmem>>, vector<64x1xf32>
      %broadcast_in_dim3A_265 = vector.shape_cast %get3A_264 : vector<64x1xf32> to vector<64x1xf32>
      %broadcast_in_dim3A_266 = vector.broadcast %broadcast_in_dim3A_265 : vector<64x1xf32> to vector<64x32xf32>
      %get3A_267 = arith.constant 0 : index
      %get3A_268 = arith.constant 3 : index
      %get3A_269 = vector.load %arg20[%get3A_267, %get3A_268] : memref<64x8xf32, #tpu.memory_space<vmem>>, vector<64x1xf32>
      %broadcast_in_dim3A_270 = vector.shape_cast %get3A_269 : vector<64x1xf32> to vector<64x1xf32>
      %broadcast_in_dim3A_271 = vector.broadcast %broadcast_in_dim3A_270 : vector<64x1xf32> to vector<64x32xf32>
      %concatenate3A = tpu.concatenate %broadcast_in_dim3A_256, %broadcast_in_dim3A_261, %broadcast_in_dim3A_266, %broadcast_in_dim3A_271 in 1 : vector<64x32xf32>, vector<64x32xf32>, vector<64x32xf32>, vector<64x32xf32> -> vector<64x128xf32>
      %get3A_272 = arith.constant 0 : index
      %get3A_273 = arith.constant 0 : index
      %get3A_274 = vector.load %arg21[%get3A_272, %get3A_273] : memref<64x128xf32, #tpu.memory_space<vmem>>, vector<64x128xf32>
      %div3A = arith.divf %get3A_274, %concatenate3A : vector<64x128xf32>
      %get3A_275 = arith.constant 0 : index
      %get3A_276 = arith.constant 0 : index
      %get3A_277 = vector.load %arg12[%get3A_275, %get3A_276] : memref<128x128xf32, #tpu.memory_space<vmem>>, vector<128x128xf32>
      %dot_general3A_278 = arith.constant dense<0.000000e+00> : vector<64x128xf32>
      %dot_general3A_279 = tpu.matmul %div3A, %get3A_277, %dot_general3A_278 {dimension_numbers = #tpu.dot_dimension_numbers<[1], [1], [0], [0], [0, 0, 1, 0], [], []>, transpose_lhs_hint = false} : vector<64x128xf32>, vector<128x128xf32>, vector<64x128xf32> -> vector<64x128xf32>
      %get3A_280 = arith.constant 0 : index
      %get3A_281 = arith.constant 0 : index
      %get3A_282 = vector.load %arg13[%get3A_280, %get3A_281] : memref<1x128xf32, #tpu.memory_space<vmem>>, vector<1x128xf32>
      %add3A_283 = vector.broadcast %get3A_282 : vector<1x128xf32> to vector<64x128xf32>
      %add3A_284 = arith.addf %dot_general3A_279, %add3A_283 : vector<64x128xf32>
      %swap3A_285 = arith.constant 0 : index
      %swap3A_286 = arith.constant 0 : index
      %swap3A_287 = vector.load %arg17[%swap3A_285, %swap3A_286] : memref<64x128xf32, #tpu.memory_space<vmem>>, vector<64x128xf32>
      tpu.vector_store %arg17[%swap3A_285, %swap3A_286], %add3A_284 {strides = array<i32>} : memref<64x128xf32, #tpu.memory_space<vmem>>, vector<64x128xf32>,
      %get3A_288 = arith.constant 0 : index
      %get3A_289 = arith.constant 0 : index
      %get3A_290 = vector.load %arg19[%get3A_288, %get3A_289] : memref<64x8xf32, #tpu.memory_space<vmem>>, vector<64x8xf32>
      %swap3A_291 = arith.constant 0 : index
      %swap3A_292 = arith.constant 0 : index
      %swap3A_293 = vector.load %arg15[%swap3A_291, %swap3A_292] : memref<64x8xf32, #tpu.memory_space<vmem>>, vector<64x8xf32>
      tpu.vector_store %arg15[%swap3A_291, %swap3A_292], %get3A_290 {strides = array<i32>} : memref<64x8xf32, #tpu.memory_space<vmem>>, vector<64x8xf32>,
      %get3A_294 = arith.constant 0 : index
      %get3A_295 = arith.constant 0 : index
      %get3A_296 = vector.load %arg20[%get3A_294, %get3A_295] : memref<64x8xf32, #tpu.memory_space<vmem>>, vector<64x8xf32>
      %swap3A_297 = arith.constant 0 : index
      %swap3A_298 = arith.constant 0 : index
      %swap3A_299 = vector.load %arg16[%swap3A_297, %swap3A_298] : memref<64x8xf32, #tpu.memory_space<vmem>>, vector<64x8xf32>
      tpu.vector_store %arg16[%swap3A_297, %swap3A_298], %get3A_296 {strides = array<i32>} : memref<64x8xf32, #tpu.memory_space<vmem>>, vector<64x8xf32>,
    } else {
    }
    return
  }
  func.func @transform_0(%arg0: i32, %arg1: memref<4096xi32, #tpu.memory_space<smem>>, %arg2: memref<14xi32, #tpu.memory_space<smem>>, %arg3: memref<4096xi32, #tpu.memory_space<smem>>) -> (i32, i32) {
    %c0_i32 = arith.constant 0 : i32
    %c0_i32_0 = arith.constant 0 : i32
    return %arg0, %c0_i32 : i32, i32
  }
  func.func @transform_1(%arg0: i32, %arg1: memref<4096xi32, #tpu.memory_space<smem>>, %arg2: memref<14xi32, #tpu.memory_space<smem>>, %arg3: memref<4096xi32, #tpu.memory_space<smem>>) -> (i32, i32) {
    %c0_i32 = arith.constant 0 : i32
    %c0_i32_0 = arith.constant 0 : i32
    return %c0_i32, %arg0 : i32, i32
  }
  func.func @transform_2(%arg0: i32, %arg1: memref<4096xi32, #tpu.memory_space<smem>>, %arg2: memref<14xi32, #tpu.memory_space<smem>>, %arg3: memref<4096xi32, #tpu.memory_space<smem>>) -> (i32, i32) {
    %c0_i32 = arith.constant 0 : i32
    %c0_i32_0 = arith.constant 0 : i32
    %c0_i32_1 = arith.constant 0 : i32
    return %c0_i32, %c0_i32_0 : i32, i32
  }
  func.func @transform_3(%arg0: i32, %arg1: memref<4096xi32, #tpu.memory_space<smem>>, %arg2: memref<14xi32, #tpu.memory_space<smem>>, %arg3: memref<4096xi32, #tpu.memory_space<smem>>) -> (i32, i32) {
    %c0_i32 = arith.constant 0 : i32
    %c0_i32_0 = arith.constant 0 : i32
    %c0_i32_1 = arith.constant 0 : i32
    return %c0_i32, %c0_i32_0 : i32, i32
  }
  func.func @transform_4(%arg0: i32, %arg1: memref<4096xi32, #tpu.memory_space<smem>>, %arg2: memref<14xi32, #tpu.memory_space<smem>>, %arg3: memref<4096xi32, #tpu.memory_space<smem>>) -> (i32, i32) {
    %c0_i32 = arith.constant 0 : i32
    %c0_i32_0 = arith.constant 0 : i32
    %c0_i32_1 = arith.constant 0 : i32
    return %c0_i32, %c0_i32_0 : i32, i32
  }
  func.func @transform_5(%arg0: i32, %arg1: memref<4096xi32, #tpu.memory_space<smem>>, %arg2: memref<14xi32, #tpu.memory_space<smem>>, %arg3: memref<4096xi32, #tpu.memory_space<smem>>) -> (i32, i32) {
    %c0_i32 = arith.constant 0 : i32
    %c0_i32_0 = arith.constant 0 : i32
    %c0_i32_1 = arith.constant 0 : i32
    return %c0_i32, %c0_i32_0 : i32, i32
  }
  func.func @transform_6(%arg0: i32, %arg1: memref<4096xi32, #tpu.memory_space<smem>>, %arg2: memref<14xi32, #tpu.memory_space<smem>>, %arg3: memref<4096xi32, #tpu.memory_space<smem>>) -> (i32, i32) {
    %c0_i32 = arith.constant 0 : i32
    %c0_i32_0 = arith.constant 0 : i32
    %c0_i32_1 = arith.constant 0 : i32
    return %c0_i32, %c0_i32_0 : i32, i32
  }
  func.func @transform_7(%arg0: i32, %arg1: memref<4096xi32, #tpu.memory_space<smem>>, %arg2: memref<14xi32, #tpu.memory_space<smem>>, %arg3: memref<4096xi32, #tpu.memory_space<smem>>) -> (i32, i32) {
    %c0_i32 = arith.constant 0 : i32
    %c0_i32_0 = arith.constant 0 : i32
    %c0_i32_1 = arith.constant 0 : i32
    return %c0_i32, %c0_i32_0 : i32, i32
  }
  func.func @transform_8(%arg0: i32, %arg1: memref<4096xi32, #tpu.memory_space<smem>>, %arg2: memref<14xi32, #tpu.memory_space<smem>>, %arg3: memref<4096xi32, #tpu.memory_space<smem>>) -> (i32, i32) {
    %c0_i32 = arith.constant 0 : i32
    %c0_i32_0 = arith.constant 0 : i32
    %c0_i32_1 = arith.constant 0 : i32
    return %c0_i32, %c0_i32_0 : i32, i32
  }
  func.func @transform_9(%arg0: i32, %arg1: memref<4096xi32, #tpu.memory_space<smem>>, %arg2: memref<14xi32, #tpu.memory_space<smem>>, %arg3: memref<4096xi32, #tpu.memory_space<smem>>) -> (i32, i32) {
    %c0_i32 = arith.constant 0 : i32
    %c0_i32_0 = arith.constant 0 : i32
    %c0_i32_1 = arith.constant 0 : i32
    return %c0_i32, %c0_i32_0 : i32, i32
  }
  func.func @transform_10(%arg0: i32, %arg1: memref<4096xi32, #tpu.memory_space<smem>>, %arg2: memref<14xi32, #tpu.memory_space<smem>>, %arg3: memref<4096xi32, #tpu.memory_space<smem>>) -> (i32, i32) {
    %c0_i32 = arith.constant 0 : i32
    %c0_i32_0 = arith.constant 0 : i32
    return %arg0, %c0_i32 : i32, i32
  }
  func.func @transform_11(%arg0: i32, %arg1: memref<4096xi32, #tpu.memory_space<smem>>, %arg2: memref<14xi32, #tpu.memory_space<smem>>, %arg3: memref<4096xi32, #tpu.memory_space<smem>>) -> (i32, i32) {
    %c0_i32 = arith.constant 0 : i32
    %c0_i32_0 = arith.constant 0 : i32
    %c0_i32_1 = arith.constant 0 : i32
    return %c0_i32, %c0_i32_0 : i32, i32
  }
  func.func @transform_12(%arg0: i32, %arg1: memref<4096xi32, #tpu.memory_space<smem>>, %arg2: memref<14xi32, #tpu.memory_space<smem>>, %arg3: memref<4096xi32, #tpu.memory_space<smem>>) -> (i32, i32) {
    %c0_i32 = arith.constant 0 : i32
    %c0_i32_0 = arith.constant 0 : i32
    %c0_i32_1 = arith.constant 0 : i32
    return %c0_i32, %c0_i32_0 : i32, i32
  }
  func.func @transform_13(%arg0: i32, %arg1: memref<4096xi32, #tpu.memory_space<smem>>, %arg2: memref<14xi32, #tpu.memory_space<smem>>, %arg3: memref<4096xi32, #tpu.memory_space<smem>>) -> (i32, i32) {
    %c0_i32 = arith.constant 0 : i32
    %c0_i32_0 = arith.constant 0 : i32
    %c0_i32_1 = arith.constant 0 : i32
    return %c0_i32, %c0_i32_0 : i32, i32
  }
}

module attributes {stable_mosaic.version = 14 : i64} {
  func.func @_passb_body(%arg0: i32, %arg1: memref<8192x128xbf16, #tpu.memory_space<vmem>>, %arg2: memref<1x8192xf32, #tpu.memory_space<vmem>>, %arg3: memref<64x128xf32, #tpu.memory_space<vmem>>, %arg4: memref<64x8xf32, #tpu.memory_space<vmem>>, %arg5: memref<64x8xf32, #tpu.memory_space<vmem>>, %arg6: memref<64x8192xf32, #tpu.memory_space<vmem>>) attributes {dimension_semantics = [#tpu.dimension_semantics<arbitrary>], iteration_bounds = array<i64: 13>, scalar_prefetch = 0 : i64, scratch_operands = 0 : i64, tpu.core_type = #tpu.core_type<tc>, window_params = [{transform_indices = @transform_0, window_bounds = array<i64: 8192, 128>}, {transform_indices = @transform_1, window_bounds = array<i64: 1, 8192>}, {pipeline_mode = #tpu.pipeline_mode<synchronous>, transform_indices = @transform_2, window_bounds = array<i64: 64, 128>}, {pipeline_mode = #tpu.pipeline_mode<synchronous>, transform_indices = @transform_3, window_bounds = array<i64: 64, 8>}, {pipeline_mode = #tpu.pipeline_mode<synchronous>, transform_indices = @transform_4, window_bounds = array<i64: 64, 8>}, {transform_indices = @transform_5, window_bounds = array<i64: 64, 8192>}]} {
    %get3A = arith.constant 0 : index
    %get3A_0 = arith.constant 0 : index
    %get3A_1 = vector.load %arg1[%get3A, %get3A_0] : memref<8192x128xbf16, #tpu.memory_space<vmem>>, vector<8192x128xbf16>
    %mul3A = arith.constant 8192 : i32
    %mul3A_2 = arith.muli %arg0, %mul3A : i32
    %iota3A = tpu.iota {dimensions = array<i32: 1>} : vector<1x8192xi32>
    %add3A = vector.broadcast %mul3A_2 : i32 to vector<1x8192xi32>
    %add3A_3 = arith.addi %add3A, %iota3A : vector<1x8192xi32>
    %get3A_4 = arith.constant 0 : index
    %get3A_5 = arith.constant 0 : index
    %get3A_6 = vector.load %arg2[%get3A_4, %get3A_5] : memref<1x8192xf32, #tpu.memory_space<vmem>>, vector<1x8192xf32>
    %lt3A = arith.constant 1.000000e-01 : f32
    %lt3A_7 = vector.broadcast %lt3A : f32 to vector<1x8192xf32>
    %lt3A_8 = arith.cmpf olt, %get3A_6, %lt3A_7 : vector<1x8192xf32>
    %ge3A = arith.constant 100000 : i32
    %ge3A_9 = vector.broadcast %ge3A : i32 to vector<1x8192xi32>
    %ge3A_10 = arith.cmpi sge, %add3A_3, %ge3A_9 : vector<1x8192xi32>
    %or3A = arith.ori %lt3A_8, %ge3A_10 : vector<1x8192xi1>
    %jit3A = arith.constant -1.000000e+09 : f32
    %jit3A_11 = arith.constant 0.000000e+00 : f32
    %broadcast_in_dim3A = vector.broadcast %jit3A : f32 to vector<1x8192xf32>
    %broadcast_in_dim3A_12 = vector.broadcast %jit3A_11 : f32 to vector<1x8192xf32>
    %select_n3A = arith.select %or3A, %broadcast_in_dim3A, %broadcast_in_dim3A_12 : vector<1x8192xi1>, vector<1x8192xf32>
    %get3A_13 = arith.constant 0 : index
    %get3A_14 = arith.constant 0 : index
    %get3A_15 = vector.load %arg3[%get3A_13, %get3A_14] : memref<64x128xf32, #tpu.memory_space<vmem>>, vector<64x128xf32>
    %convert_element_type3A = arith.truncf %get3A_15 : vector<64x128xf32> to vector<64x128xbf16>
    %broadcast_in_dim3A_16 = arith.constant 0.000000e+00 : f32
    %broadcast_in_dim3A_17 = vector.broadcast %broadcast_in_dim3A_16 : f32 to vector<64x8192xf32>
    %slice3A = vector.extract_strided_slice %convert_element_type3A {offsets = [0, 0], sizes = [64, 32], strides = [1, 1]} : vector<64x128xbf16> to vector<64x32xbf16>
    %slice3A_18 = vector.extract_strided_slice %get3A_1 {offsets = [0, 0], sizes = [8192, 32], strides = [1, 1]} : vector<8192x128xbf16> to vector<8192x32xbf16>
    %dot_general3A = arith.constant dense<0.000000e+00> : vector<64x8192xf32>
    %dot_general3A_19 = tpu.matmul %slice3A, %slice3A_18, %dot_general3A {dimension_numbers = #tpu.dot_dimension_numbers<[1], [1], [0], [0], [0, 0, 1, 0], [], []>, transpose_lhs_hint = false} : vector<64x32xbf16>, vector<8192x32xbf16>, vector<64x8192xf32> -> vector<64x8192xf32>
    %add3A_20 = vector.broadcast %select_n3A : vector<1x8192xf32> to vector<64x8192xf32>
    %add3A_21 = arith.addf %dot_general3A_19, %add3A_20 : vector<64x8192xf32>
    %get3A_22 = arith.constant 0 : index
    %get3A_23 = arith.constant 0 : index
    %get3A_24 = vector.load %arg4[%get3A_22, %get3A_23] : memref<64x8xf32, #tpu.memory_space<vmem>>, vector<64x1xf32>
    %sub3A = vector.broadcast %get3A_24 : vector<64x1xf32> to vector<64x8192xf32>
    %sub3A_25 = arith.subf %add3A_21, %sub3A : vector<64x8192xf32>
    %exp3A = math.exp %sub3A_25 : vector<64x8192xf32>
    %get3A_26 = arith.constant 0 : index
    %get3A_27 = arith.constant 0 : index
    %get3A_28 = vector.load %arg5[%get3A_26, %get3A_27] : memref<64x8xf32, #tpu.memory_space<vmem>>, vector<64x1xf32>
    %div3A = arith.constant 2.500000e-01 : f32
    %div3A_29 = vector.broadcast %div3A : f32 to vector<64x1xf32>
    %div3A_30 = arith.divf %div3A_29, %get3A_28 : vector<64x1xf32>
    %mul3A_31 = vector.broadcast %div3A_30 : vector<64x1xf32> to vector<64x8192xf32>
    %mul3A_32 = arith.mulf %exp3A, %mul3A_31 : vector<64x8192xf32>
    %add3A_33 = arith.addf %broadcast_in_dim3A_17, %mul3A_32 : vector<64x8192xf32>
    %slice3A_34 = vector.extract_strided_slice %convert_element_type3A {offsets = [0, 32], sizes = [64, 32], strides = [1, 1]} : vector<64x128xbf16> to vector<64x32xbf16>
    %slice3A_35 = vector.extract_strided_slice %get3A_1 {offsets = [0, 32], sizes = [8192, 32], strides = [1, 1]} : vector<8192x128xbf16> to vector<8192x32xbf16>
    %dot_general3A_36 = arith.constant dense<0.000000e+00> : vector<64x8192xf32>
    %dot_general3A_37 = tpu.matmul %slice3A_34, %slice3A_35, %dot_general3A_36 {dimension_numbers = #tpu.dot_dimension_numbers<[1], [1], [0], [0], [0, 0, 1, 0], [], []>, transpose_lhs_hint = false} : vector<64x32xbf16>, vector<8192x32xbf16>, vector<64x8192xf32> -> vector<64x8192xf32>
    %add3A_38 = vector.broadcast %select_n3A : vector<1x8192xf32> to vector<64x8192xf32>
    %add3A_39 = arith.addf %dot_general3A_37, %add3A_38 : vector<64x8192xf32>
    %get3A_40 = arith.constant 0 : index
    %get3A_41 = arith.constant 1 : index
    %get3A_42 = vector.load %arg4[%get3A_40, %get3A_41] : memref<64x8xf32, #tpu.memory_space<vmem>>, vector<64x1xf32>
    %sub3A_43 = vector.broadcast %get3A_42 : vector<64x1xf32> to vector<64x8192xf32>
    %sub3A_44 = arith.subf %add3A_39, %sub3A_43 : vector<64x8192xf32>
    %exp3A_45 = math.exp %sub3A_44 : vector<64x8192xf32>
    %get3A_46 = arith.constant 0 : index
    %get3A_47 = arith.constant 1 : index
    %get3A_48 = vector.load %arg5[%get3A_46, %get3A_47] : memref<64x8xf32, #tpu.memory_space<vmem>>, vector<64x1xf32>
    %div3A_49 = arith.constant 2.500000e-01 : f32
    %div3A_50 = vector.broadcast %div3A_49 : f32 to vector<64x1xf32>
    %div3A_51 = arith.divf %div3A_50, %get3A_48 : vector<64x1xf32>
    %mul3A_52 = vector.broadcast %div3A_51 : vector<64x1xf32> to vector<64x8192xf32>
    %mul3A_53 = arith.mulf %exp3A_45, %mul3A_52 : vector<64x8192xf32>
    %add3A_54 = arith.addf %add3A_33, %mul3A_53 : vector<64x8192xf32>
    %slice3A_55 = vector.extract_strided_slice %convert_element_type3A {offsets = [0, 64], sizes = [64, 32], strides = [1, 1]} : vector<64x128xbf16> to vector<64x32xbf16>
    %slice3A_56 = vector.extract_strided_slice %get3A_1 {offsets = [0, 64], sizes = [8192, 32], strides = [1, 1]} : vector<8192x128xbf16> to vector<8192x32xbf16>
    %dot_general3A_57 = arith.constant dense<0.000000e+00> : vector<64x8192xf32>
    %dot_general3A_58 = tpu.matmul %slice3A_55, %slice3A_56, %dot_general3A_57 {dimension_numbers = #tpu.dot_dimension_numbers<[1], [1], [0], [0], [0, 0, 1, 0], [], []>, transpose_lhs_hint = false} : vector<64x32xbf16>, vector<8192x32xbf16>, vector<64x8192xf32> -> vector<64x8192xf32>
    %add3A_59 = vector.broadcast %select_n3A : vector<1x8192xf32> to vector<64x8192xf32>
    %add3A_60 = arith.addf %dot_general3A_58, %add3A_59 : vector<64x8192xf32>
    %get3A_61 = arith.constant 0 : index
    %get3A_62 = arith.constant 2 : index
    %get3A_63 = vector.load %arg4[%get3A_61, %get3A_62] : memref<64x8xf32, #tpu.memory_space<vmem>>, vector<64x1xf32>
    %sub3A_64 = vector.broadcast %get3A_63 : vector<64x1xf32> to vector<64x8192xf32>
    %sub3A_65 = arith.subf %add3A_60, %sub3A_64 : vector<64x8192xf32>
    %exp3A_66 = math.exp %sub3A_65 : vector<64x8192xf32>
    %get3A_67 = arith.constant 0 : index
    %get3A_68 = arith.constant 2 : index
    %get3A_69 = vector.load %arg5[%get3A_67, %get3A_68] : memref<64x8xf32, #tpu.memory_space<vmem>>, vector<64x1xf32>
    %div3A_70 = arith.constant 2.500000e-01 : f32
    %div3A_71 = vector.broadcast %div3A_70 : f32 to vector<64x1xf32>
    %div3A_72 = arith.divf %div3A_71, %get3A_69 : vector<64x1xf32>
    %mul3A_73 = vector.broadcast %div3A_72 : vector<64x1xf32> to vector<64x8192xf32>
    %mul3A_74 = arith.mulf %exp3A_66, %mul3A_73 : vector<64x8192xf32>
    %add3A_75 = arith.addf %add3A_54, %mul3A_74 : vector<64x8192xf32>
    %slice3A_76 = vector.extract_strided_slice %convert_element_type3A {offsets = [0, 96], sizes = [64, 32], strides = [1, 1]} : vector<64x128xbf16> to vector<64x32xbf16>
    %slice3A_77 = vector.extract_strided_slice %get3A_1 {offsets = [0, 96], sizes = [8192, 32], strides = [1, 1]} : vector<8192x128xbf16> to vector<8192x32xbf16>
    %dot_general3A_78 = arith.constant dense<0.000000e+00> : vector<64x8192xf32>
    %dot_general3A_79 = tpu.matmul %slice3A_76, %slice3A_77, %dot_general3A_78 {dimension_numbers = #tpu.dot_dimension_numbers<[1], [1], [0], [0], [0, 0, 1, 0], [], []>, transpose_lhs_hint = false} : vector<64x32xbf16>, vector<8192x32xbf16>, vector<64x8192xf32> -> vector<64x8192xf32>
    %add3A_80 = vector.broadcast %select_n3A : vector<1x8192xf32> to vector<64x8192xf32>
    %add3A_81 = arith.addf %dot_general3A_79, %add3A_80 : vector<64x8192xf32>
    %get3A_82 = arith.constant 0 : index
    %get3A_83 = arith.constant 3 : index
    %get3A_84 = vector.load %arg4[%get3A_82, %get3A_83] : memref<64x8xf32, #tpu.memory_space<vmem>>, vector<64x1xf32>
    %sub3A_85 = vector.broadcast %get3A_84 : vector<64x1xf32> to vector<64x8192xf32>
    %sub3A_86 = arith.subf %add3A_81, %sub3A_85 : vector<64x8192xf32>
    %exp3A_87 = math.exp %sub3A_86 : vector<64x8192xf32>
    %get3A_88 = arith.constant 0 : index
    %get3A_89 = arith.constant 3 : index
    %get3A_90 = vector.load %arg5[%get3A_88, %get3A_89] : memref<64x8xf32, #tpu.memory_space<vmem>>, vector<64x1xf32>
    %div3A_91 = arith.constant 2.500000e-01 : f32
    %div3A_92 = vector.broadcast %div3A_91 : f32 to vector<64x1xf32>
    %div3A_93 = arith.divf %div3A_92, %get3A_90 : vector<64x1xf32>
    %mul3A_94 = vector.broadcast %div3A_93 : vector<64x1xf32> to vector<64x8192xf32>
    %mul3A_95 = arith.mulf %exp3A_87, %mul3A_94 : vector<64x8192xf32>
    %add3A_96 = arith.addf %add3A_75, %mul3A_95 : vector<64x8192xf32>
    %swap3A = arith.constant 0 : index
    %swap3A_97 = arith.constant 0 : index
    %swap3A_98 = vector.load %arg6[%swap3A, %swap3A_97] : memref<64x8192xf32, #tpu.memory_space<vmem>>, vector<64x8192xf32>
    tpu.vector_store %arg6[%swap3A, %swap3A_97], %add3A_96 {strides = array<i32>} : memref<64x8192xf32, #tpu.memory_space<vmem>>, vector<64x8192xf32>,
    return
  }
  func.func @transform_0(%arg0: i32) -> (i32, i32) {
    %c0_i32 = arith.constant 0 : i32
    %c0_i32_0 = arith.constant 0 : i32
    return %arg0, %c0_i32 : i32, i32
  }
  func.func @transform_1(%arg0: i32) -> (i32, i32) {
    %c0_i32 = arith.constant 0 : i32
    %c0_i32_0 = arith.constant 0 : i32
    return %c0_i32, %arg0 : i32, i32
  }
  func.func @transform_2(%arg0: i32) -> (i32, i32) {
    %c0_i32 = arith.constant 0 : i32
    %c0_i32_0 = arith.constant 0 : i32
    %c0_i32_1 = arith.constant 0 : i32
    return %c0_i32, %c0_i32_0 : i32, i32
  }
  func.func @transform_3(%arg0: i32) -> (i32, i32) {
    %c0_i32 = arith.constant 0 : i32
    %c0_i32_0 = arith.constant 0 : i32
    %c0_i32_1 = arith.constant 0 : i32
    return %c0_i32, %c0_i32_0 : i32, i32
  }
  func.func @transform_4(%arg0: i32) -> (i32, i32) {
    %c0_i32 = arith.constant 0 : i32
    %c0_i32_0 = arith.constant 0 : i32
    %c0_i32_1 = arith.constant 0 : i32
    return %c0_i32, %c0_i32_0 : i32, i32
  }
  func.func @transform_5(%arg0: i32) -> (i32, i32) {
    %c0_i32 = arith.constant 0 : i32
    %c0_i32_0 = arith.constant 0 : i32
    return %c0_i32, %arg0 : i32, i32
  }
}

</mosaic_0001>

<sc_bundles>
// kernel: gather_offload_async_start
scs
__scs_entry_jumppad:
0x0: {  	(pc) =	sbr.rel $0x88, $3  }
0x1: {  	(tag) =	ssettag $0x0;
	lr =	simm.s32 $0x1  }
0x2: {  	[smem:$0x3F90] =	sst lr;
	_ =	strace $0xD0000000  }
0x3: {  	_ = 	snop  }
0x4: {  	_ = 	snop  }
0x5: {  	_ = 	snop  }
0x6: {  	_ = 	snop  }
0x7: {  	_ = 	snop  }
__scs_overlays_trampoline_lowered:
0x8: {  	[smem:$0x3F9F] =	sst s0  }
0x9: {  	[smem:$0x3FA0] =	sst s1  }
0xa: {  	[smem:$0x3FA1] =	sst s2  }
0xb: {  	[smem:$0x3FA2] =	sst s3  }
0xc: {  	[smem:$0x3FA3] =	sst s4  }
0xd: {  	[smem:$0x3FA4] =	sst s5  }
0xe: {  	[smem:$0x3FA5] =	sst s6  }
0xf: {  	[smem:$0x3FA6] =	sst s7  }
0x10: {  	[smem:$0x3FA7] =	sst s8  }
0x11: {  	[smem:$0x3FA8] =	sst s9;
	s0 =	simm.s32 @!p0 $0x0  }
0x12: {  	s1 =	sld [smem:$0x3F8E];
	s0 =	simm.s32 @p0 $0x1  }
0x13: {  	[smem:$0x3FA9] =	sst s0;
	s0 =	simm.s32 @!p1 $0x0  }
0x14: {  	s2 =	sld [smem:$0x3F8D];
	s0 =	simm.s32 @p1 $0x1  }
0x15: {  	[smem:$0x3FAA] =	sst s0;
	s0 =	simm.s32 @!p2 $0x0  }
0x16: {  	s3 =	sld [smem:$0x3FDB];
	s0 =	simm.s32 @p2 $0x1  }
0x17: {  	s4 =	simm.s32 $0x1BF5;
	[smem:$0x3FAC] =	sst s0  }
0x18: {  	s0 =	sld [smem:$0x3F8F];
	_ =	swait.ge [sflag:s4], $0x0  }
0x19: {  	s7 =	sld [smem:$0x3F90]  }
0x1a: {  	s8 =	sadd.s32 $0xFFFFE003, lr  }
0x1b: {  	s9 =	sadd.s32 $0xFFFFFEF7, lr;
	s5 =	simm.s32 $0xFFFFFFFF;
	p2 =	slt.u32 s8, $0xFFFFF086  }
0x1c: {  	p1 =	slt.u32 s9, $0xF7A;
	s5 =	simm.s32 @!p2 $0x0  }
0x1d: {  	s5 =	simm.s32 @p1 $0x1;
	p0 =	seq.s32 s7, s2  }
0x1e: {  	s7 =	smul.u32 @!p0 $0xF7A, s2;
	p2 =	seq.s32 @!p0 s5, $0x0  }
0x1f: {  	s9 =	smul.u32 $0xF7A, s1;
	s8 =	simm.s32 @!p0 $0x1BF5;
	p2 =	por !p2, p0  }
0x20: {  	[sflag:s8] =	ssyncset.s32 @!p0 $0xFFFFF086;
	s6 =	sadd.s32 @!p0 s3, s7;
	s7 =	simm.s32 @!p0 $0x108  }
0x21: {  	s3 =	sadd.s32 s3, s9;
	s6 =	sadd.s32 @!p0 $0x88, s6;
	s7 =	simm.s32 @p2 $0x1082  }
0x22: {  	[simem:s7], [sflag:s8] =	dma.local @!p0 [hbm:s6], $0xF7A  }
0x23: {  	s9 =	sor.u32 $0xD0000000, s2;
	s6 =	simm.s32 $0x108;
	_ =	swait.ge @!p0 [sflag:s8], $0x0  }
0x24: {  	s3 =	sadd.s32 $0x88, s3;
	s6 =	simm.s32 @!p1 $0x1082;
	[sflag:s4] =	ssyncset.s32 $0xFFFFF086  }
0x25: {  	[simem:s6], [sflag:s4] =	dma.local [hbm:s3], $0xF7A  }
0x26: {  	[smem:$0x3F90] =	sst s1;
	(tag) =	ssettag s2;
	_ =	strace s9  }
0x27: {  	s1 =	sld [smem:$0x3FA0]  }
0x28: {  	s2 =	sld [smem:$0x3FA1]  }
0x29: {  	s4 =	sld [smem:$0x3FA3]  }
0x2a: {  	p0 =	seq.s32 s5, $0x0;
	s5 =	sld [smem:$0x3FA4]  }
0x2b: {  	s6 =	sld [smem:$0x3FA5]  }
0x2c: {  	s7 =	sld [smem:$0x3FA6]  }
0x2d: {  	s3 =	simm.s32 $0x108;
	s8 =	sld [smem:$0x3FA7]  }
0x2e: {  	s3 =	simm.s32 @!p0 $0x1082;
	s9 =	sld [smem:$0x3FA8]  }
0x2f: {  	lr =	sadd.s32 s0, s3;
	s0 =	sld [smem:$0x3F9F]  }
0x30: {  	s3 =	sld [smem:$0x3FA2]  }
0x31: {  	[smem:$0x3FAB] =	sst s10  }
0x32: {  	s10 =	sld [smem:$0x3FA9];
	_ =	sdelay $0x3  }
0x33: {  	p0 =	seq.s32 s10, $0x1;
	s10 =	sld [smem:$0x3FAB];
	_ =	sdelay $0x3  }
0x34: {  	[smem:$0x3FAB] =	sst s10  }
0x35: {  	s10 =	sld [smem:$0x3FAA];
	_ =	sdelay $0x3  }
0x36: {  	p1 =	seq.s32 s10, $0x1;
	s10 =	sld [smem:$0x3FAB];
	_ =	sdelay $0x3  }
0x37: {  	[smem:$0x3FAB] =	sst s10  }
0x38: {  	s10 =	sld [smem:$0x3FAC]  }
0x39: {  	_ = 	snop;
	(pc) =	sbr.ind lr, $3  }
0x3a: {  	_ = 	snop  }
0x3b: {  	_ = 	snop  }
0x3c: {  	p2 =	seq.s32 s10, $0x1;
	s10 =	sld [smem:$0x3FAB]  }
0x3d: {  	_ =	shalt  }
0x3e: {  	_ =	shalt  }
0x3f: {  	_ =	shalt  }
0x40: {  	_ =	shalt  }
0x41: {  	_ =	shalt  }
0x42: {  	_ =	shalt  }
0x43: {  	_ =	shalt  }
0x44: {  	_ =	shalt  }
0x45: {  	_ =	shalt  }
0x46: {  	_ =	shalt  }
0x47: {  	_ =	shalt  }
0x48: {  	_ =	shalt  }
0x49: {  	_ =	shalt  }
0x4a: {  	_ =	shalt  }
0x4b: {  	_ =	shalt  }
0x4c: {  	_ =	shalt  }
0x4d: {  	_ =	shalt  }
0x4e: {  	_ =	shalt  }
0x4f: {  	_ =	shalt  }
0x50: {  	_ =	shalt  }
0x51: {  	_ =	shalt  }
0x52: {  	_ =	shalt  }
0x53: {  	_ =	shalt  }
0x54: {  	_ =	shalt  }
0x55: {  	_ =	shalt  }
0x56: {  	_ =	shalt  }
0x57: {  	_ =	shalt  }
0x58: {  	_ =	shalt  }
0x59: {  	_ =	shalt  }
0x5a: {  	_ =	shalt  }
0x5b: {  	_ =	shalt  }
0x5c: {  	_ =	shalt  }
0x5d: {  	_ =	shalt  }
0x5e: {  	_ =	shalt  }
0x5f: {  	_ =	shalt  }
0x60: {  	_ =	shalt  }
0x61: {  	_ =	shalt  }
0x62: {  	_ =	shalt  }
0x63: {  	_ =	shalt  }
0x64: {  	_ =	shalt  }
0x65: {  	_ =	shalt  }
0x66: {  	_ =	shalt  }
0x67: {  	_ =	shalt  }
0x68: {  	_ =	shalt  }
0x69: {  	_ =	shalt  }
0x6a: {  	_ =	shalt  }
0x6b: {  	_ =	shalt  }
0x6c: {  	_ =	shalt  }
0x6d: {  	_ =	shalt  }
0x6e: {  	_ =	shalt  }
0x6f: {  	_ =	shalt  }
0x70: {  	_ =	shalt  }
0x71: {  	_ =	shalt  }
0x72: {  	_ =	shalt  }
0x73: {  	_ =	shalt  }
0x74: {  	_ =	shalt  }
0x75: {  	_ =	shalt  }
0x76: {  	_ =	shalt  }
0x77: {  	_ =	shalt  }
0x78: {  	_ =	shalt  }
0x79: {  	_ =	shalt  }
0x7a: {  	_ =	shalt  }
0x7b: {  	_ =	shalt  }
0x7c: {  	_ =	shalt  }
0x7d: {  	_ =	shalt  }
0x7e: {  	_ =	shalt  }
0x7f: {  	_ =	shalt  }
0x80: {  	_ =	shalt  }
0x81: {  	_ =	shalt  }
0x82: {  	_ =	shalt  }
0x83: {  	_ =	shalt  }
0x84: {  	_ =	shalt  }
0x85: {  	_ =	shalt  }
0x86: {  	_ =	shalt  }
0x87: {  	_ =	shalt  }
.Lfunc_end0:
.L_simem_size_0:
called_computation_lowered:
.L_overlay_start_0:
0x88: {  	s2 =	sld [smem:$0x3FD9]  }
0x89: {  	s3 =	sld [smem:$0x3FFE];
	_ =	sdelay $0x1  }
0x8a: {  	s1 =	srdreg.scid  }
0x8b: {  	s0 =	sand.u32 $0x1, s1  }
0x8c: {  	s14 =	sshll.u32 s0, $0xA;
	s2 =	sadd.s32 s3, s2  }
0x8d: {  	s2 =	sadd.s32 s2, s14  }
0x8e: {  	[smem:$0x3FB7] =	sst s2  }
0x8f: {  	_ = 	snop  }
0x90: {  	s2 =	sld [smem:$0x3FD0];
	_ =	sdelay $0x2  }
0x91: {  	s4 =	simm.s32 $0xB;
	s5 =	simm.s32 $0x10;
	s15 =	sld [smem:$0x3FC8]  }
0x92: {  	[smem:s5], [sflag:s4] =	dma.local [hbm:s2], $0x1  }
0x93: {  	_ =	swait.eq [sflag:s4], $0x1  }
0x94: {  	[sflag:s4] =	ssyncset.done $0x0  }
0x95: {  	[sflag:s4] =	ssyncadd.s32 $0xFFFFFFFF  }
0x96: {  	s16 =	sld [smem:$0x10];
	(tm) =	ssettm $0x1  }
0x97: {  	s17 =	sld [smem:$0x3FFB];
	_ =	sdelay $0x3  }
0x98: {  	_ =	strace s17  }
0x99: {  	s4 =	sld [smem:$0x3FFC];
	_ =	sdelay $0x3  }
0x9a: {  	_ =	strace s4  }
0x9b: {  	s4 =	sld [smem:$0x3FFD];
	_ =	sdelay $0x3  }
0x9c: {  	_ =	strace s4  }
0x9d: {  	_ =	strace $0x8FFFFFFF  }
0x9e: {  	s18 =	sld [smem:$0x3FDB];
	_ =	sdelay $0x1  }
0x9f: {  	s19 =	simm.s32 $_scs_section_size  }
0xa0: {  	s6 =	simm.s32 $_size__tile_overlayer_lowered;
	s7 =	simm.s32 $_tile_overlayer_lowered  }
0xa1: {  	s22 =	simm.s32 $0x1BFF;
	s21 =	sshll.u32 s7, $0x1;
	s4 =	sadd.s32 s19, s18  }
0xa2: {  	s8 =	simm.s32 $0x0;
	s20 =	sshll.u32 s6, $0x1;
	s6 =	sadd.s32 s21, s4  }
0xa3: {  	[timem:s8], [sflag:s22] =	dma.local [hbm:s6], s20  }
0xa4: {  	_ =	swait.ge [sflag:s22], s20  }
0xa5: {  	s5 =	ssub.s32 $0x0, s20;
	[sflag:s22] =	ssyncset.done $0x0  }
0xa6: {  	[sflag:s22] =	ssyncadd.s32 s5;
	_ =	sdelay $0x1  }
0xa7: {  	s23 =	simm.s32 $0x1B8B  }
0xa8: {  	_ =	swait.ge [sflag:s23], $0x1  }
0xa9: {  	[sflag:s23] =	ssyncset.done $0x0  }
0xaa: {  	s25 =	simm.s32 $0x1B8E;
	s24 =	sld [smem:$0x3FFE];
	[sflag:s23] =	ssyncadd.s32 $0xFFFFFFFF  }
0xab: {  	s26 =	simm.s32 $execute0_lowered;
	[smem:$0x3FD2] =	sst s25  }
0xac: {  	s6 =	sshll.u32 s26, $0x1;
	_ =	strace $0x80000046;
	[dreg:$0x1] =	wrdreg $0xFFFFFFFF  }
0xad: {  	s28 =	simm.s32 $_size_execute0_lowered;
	s4 =	sadd.s32 s4, s6;
	[dreg:$0x0] =	wrdreg $0x0  }
0xae: {  	s6 =	sshll.u32 s28, $0x1;
	[dreg:$0x2] =	wrdreg s4  }
0xaf: {  	[dreg:$0x3] =	wrdreg s6  }
0xb0: {  	[dreg:$0x4] =	wrdreg $0xC0  }
0xb1: {  	_ =	task [dreg:s8], $0x5FFFF  }
0xb2: {  	[dreg:$0x1] =	wrdreg $0xFFFFFFFF  }
0xb3: {  	[dreg:$0x0] =	wrdreg $0x60  }
0xb4: {  	[dreg:$0x2] =	wrdreg s15  }
0xb5: {  	[dreg:$0x3] =	wrdreg s16  }
0xb6: {  	[dreg:$0x4] =	wrdreg s24  }
0xb7: {  	[dreg:$0x5] =	wrdreg $0x9  }
0xb8: {  	_ =	task.clear_ibuf [dreg:s8], $0x6FFFF;
	_ =	strace $0x90000046  }
0xb9: {  	s29 =	simm.s32 $0x9;
	_ =	strace $0x80000048  }
0xba: {  	_ =	swait.ge [sflag:s29], $0x1  }
0xbb: {  	[sflag:s29] =	ssyncadd.s32 $0xFFFFFFFF  }
0xbc: {  	_ =	strace $0x90000048  }
0xbd: {  	_ =	sfence  }
0xbe: {  	s30 =	sld [smem:$0x0];
	_ =	sdelay $0x2  }
0xbf: {  	s31 =	sshll.u32 s1, $0xD;
	s1 =	sshrl.u32 s1, $0x2  }
0xc0: {  	s3 =	sand.u32 $0x4000, s31;
	s1 =	sadd.s32 s1, s30  }
0xc1: {  	s0 =	sor.u32 s3, s0;
	s1 =	sshll.u32 s1, $0x11  }
0xc2: {  	s0 =	sor.u32 s1, s0  }
0xc3: {  	s0 =	sadd.s32 $0x8F2B, s0  }
0xc4: {  	[sflag:s0] =	ssyncadd.remote.s32 $0x1  }
0xc5: {  	_ =	sfence.sel $0xFFFF  }
0xc6: {  	[dreg:$0x0] =	wrdreg $0xFFFFFFFF;
	(pc) =	sbr.abs _section_cstart, $3  }
0xc7: {  	[dreg:$0x1] =	wrdreg $0xFFFFFFFF  }
0xc8: {  	_ =	task.clear_ibuf [dreg:s8], $0x2FFFF;
	_ =	strace $0x9FFFFFFF  }
0xc9: {  	(tm) =	ssettm $0x7FFFFFFF  }
tec
execute0_lowered:
.L_overlay_start_1:
0x0: {  	(tag) =	ssettag $0x1  }
0x1: {  	s2 =	rddreg [dreg:$0x0]  }
0x2: {  	s1 =	srdreg.scid;
	s3 =	rddreg [dreg:$0x1]  }
0x3: {  	s0 =	stileid.u32;
	s5 =	rddreg [dreg:$0x2]  }
0x4: {  	s9 =	simm.s32 $0x1;
	s10 =	simm.s32 $0x3;
	s1 =	sshll.u32 s1, $0x6  }
0x5: {  	s13 =	simm.s32 $0x0;
	s4 =	sshll.u32 s0, $0x7;
	s6 =	sand.u32 $0x40, s1  }
0x6: {  	s12 =	simm.s32 $0x0;
	s5 =	sadd.s32 $0x2200, s5;
	s4 =	sor.u32 s4, s6  }
0x7: {  	s1 =	rddreg [dreg:$0x3];
	_ =	strace $0x80000047;
	s8 =	ssub.s32 $0x1000, s4  }
.Ltmp0:
0x8: {  	s6 =	simm.s32 $0x1;
	s7 =	sand.u32 $0x7C0, s8;
	(pc) =	sbr.rel .LBB2_1-.Ltmp0, $4  }
0x9: {  	[sflag:s6] =	ssyncpa.u1 $0x0;
	s11 =	smov.u32 s4;
	p0 =	sne.s32 s7, $0x0  }
0xa: {  	s8 =	sshrl.u32 s8, $0xB;
	s7 =	simm.s32 $0x2;
	s9 =	simm.s32 @!p0 $0x0  }
0xb: {  	[sflag:s7] =	ssyncpa.u1 $0x0;
	p0 =	por $0x0, $0x0;
	s8 =	sadd.s32 s9, s8  }
0xc: {  	vm0 =	vmmov $0xffff;
	[sflag:s10] =	ssyncpa.u1 $0x0;
	s10 =	simm.s32 $0x0;
	s9 =	sadd.s32 $0x1, s8  }
.LBB2_4:
0xd: {  	v2 =	vnsel vm1, $0x0, v2  }
0xe: {  	vm1 =	vgt.s32 v0, $0x0;
	v2 =	vmin.u32 v2, $0xFFF  }
0xf: {  	v0 =	vnsel vm1, $0x0, v0  }
0x10: {  	v0 =	vmin.u32 v0, $0xFFF  }
0x11: {  	[tilespmem:s15], [sflag:$0x1] =	stream.indirect_vreg.gather [hbm4b:s2+s10], $0x1, v1, vm0, $0x4038;
	[tilespmem:$0x100] =	vst v63  }
0x12: {  	(ifvalue) =	ssetifvalue $0x7FFFFFFF  }
0x13: {  	[tilespmem:s16], [sflag:$0x1] =	stream.indirect_vreg.gather [hbm4b:s2+s10], $0x1, v2, vm0, $0x4038;
	[tilespmem:$0x100] =	vst v63  }
0x14: {  	s29 =	sadd.s32 $0x10, s16;
	(ifvalue) =	ssetifvalue $0x7FFFFFFF  }
0x15: {  	[tilespmem:s29], [sflag:$0x1] =	stream.indirect_vreg.gather [hbm4b:s2+s10], $0x1, v0, vm0, $0x4038;
	[tilespmem:$0x100] =	vst v63  }
0x16: {  	_ =	swait.ge [sflag:s6], $0x40  }
0x17: {  	s30 =	sshrl.u32 s13, $0x3;
	[sflag:s6] =	ssyncset.done $0x0  }
0x18: {  	s31 =	sand.u32 $0x7, s13;
	s15 =	sadd.s32 s5, s30;
	[sflag:s6] =	ssyncadd.s32 $0xFFFFFFC0  }
0x19: {  	[hbm4b:s15+s31] =	stream.linear.scatter [tilespmem:s14], [sflag:$0x3], $0x40, $0x38;
	[tilespmem:$0x100] =	vst v63  }
.LBB2_5:
0x1a: {  	s15 =	sadd.s32 $0x800, s11  }
0x1b: {  	p2 =	sgt.s32 s15, $0xFFF  }
0x1c: {  	s15 =	smov.u32 @p2 s4;
	p2 =	sne.s32 s12, s9  }
.Ltmp1:
0x1d: {  	p1 =	slt.u32 s12, $0x2;
	(pc) =	sbr.rel @!p2 .LBB2_6-.Ltmp1, $4  }
0x1e: {  	s14 =	simm.s32 @!p1 $0x3  }
0x1f: {  	s16 =	sadd.s32 $0x1, s12;
	_ =	swait.ge @!p1 [sflag:s14], $0x40  }
0x20: {  	s13 =	smov.u32 s11;
	p0 =	por !p0, !p0;
	[sflag:s14] =	ssyncset.done @!p1 $0x0  }
0x21: {  	s12 =	smov.u32 s16;
	s11 =	smov.u32 s15;
	[sflag:s14] =	ssyncadd.s32 @!p1 $0xFFFFFFC0  }
.LBB2_1:
0x22: {  	p1 =	sge.u32 s12, s8  }
0x23: {  	s14 =	sxor.u32 @!p1 $0xFFFFFFFF, s12  }
0x24: {  	s31 =	sadd.s32 $0xFFFFFFFF, s12;
	s15 =	sshrl.u32 @!p1 s11, $0x3;
	s14 =	sshll.u32 @!p1 s14, $0x6  }
0x25: {  	s16 =	sand.u32 @!p1 $0x7, s11;
	s15 =	sadd.s32 @!p1 s3, s15;
	s14 =	sand.u32 @!p1 $0x40, s14  }
0x26: {  	[tilespmem:s14], [sflag:$0x2] =	stream.linear.gather @!p1 [hbm4b:s15+s16], $0x40, $0x38;
	[tilespmem:$0x100] =	vst v63  }
0x27: {  	p1 =	sge.u32 s31, s8  }
.Ltmp2:
0x28: {  	_ = 	snop;
	(pc) =	sbr.rel @p1 .LBB2_5-.Ltmp2, $1  }
0x29: {  	_ =	sdelay $0x3  }
0x2a: {  	s14 =	simm.s32 $0x1  }
0x2b: {  	_ =	swait.ge [sflag:s7], $0x40;
	s14 =	simm.s32 @!p0 $0x0  }
0x2c: {  	[sflag:s7] =	ssyncset.done $0x0;
	s14 =	sshll.u32 s14, $0x6  }
0x2d: {  	[sflag:s7] =	ssyncadd.s32 $0xFFFFFFC0;
	(ifvalue) =	ssetifvalue $0x7FFFFFFF;
	v0 =	vld.msk [tilespmem:s14+$0x0 ss:$0x1], $0xffff;
	_ =	sdelay $0x4  }
0x2e: {  	s15 =	sadd.s32 $0x10, s14;
	vm1 =	vgt.s32 v0, $0x0  }
0x2f: {  	v2 =	vld.msk [tilespmem:s15+$0x0 ss:$0x1], $0xffff;
	v1 =	vnsel vm1, $0x0, v0  }
0x30: {  	v1 =	vmin.u32 v1, $0xFFF;
	_ =	sdelay $0x1  }
0x31: {  	s16 =	sshll.u32 s12, $0x6;
	s18 =	simm.s32 $0x20  }
0x32: {  	s16 =	sand.u32 $0x40, s16;
	s17 =	sadd.s32 $0x10, s15;
	s15 =	sor.u32 $0x80, s14  }
0x33: {  	s14 =	sor.u32 $0x80, s16;
	s16 =	sadd.s32 $0x10, s15;
	v0 =	vld.msk [tilespmem:s17+$0x0 ss:$0x1], $0xffff;
	vm1 =	vgt.s32 v2, $0x0;
	(ifvalue) =	ssetifvalue $0x7FFFFFFF  }
.LBB2_3:
0x34: {  	[tilespmem:s15], [sflag:$0x1] =	stream.indirect_vreg.gather [hbm4b:s2+s10], $0x1, v1, vm0, $0x4038;
	[tilespmem:$0x100] =	vst v63  }
0x35: {  	s18 =	sadd.s32 $0x10, s18  }
0x36: {  	v2 =	vnsel vm1, $0x0, v2;
	p1 =	slt.u32 s18, $0x30  }
.Ltmp3:
0x37: {  	s15 =	smov.u32 s16;
	v1 =	vmin.u32 v2, $0xFFF;
	(pc) =	sbr.rel @p1 .LBB2_3-.Ltmp3, $3  }
0x38: {  	_ =	sdelay $0x1  }
0x39: {  	s17 =	sadd.s32 $0x10, s17  }
0x3a: {  	vm1 =	vgt.s32 v0, $0x0;
	s16 =	sadd.s32 $0x10, s16;
	v2 =	vmov v0;
	(ifvalue) =	ssetifvalue $0x7FFFFFFF;
	v0 =	vld.msk [tilespmem:s17+$0x0 ss:$0x1], $0xffff  }
.Ltmp4:
0x3b: {  	_ = 	snop;
	(pc) =	sbr.rel .LBB2_4-.Ltmp4, $1  }
0x3c: {  	_ =	sdelay $0x3  }
.LBB2_6:
0x3d: {  	_ =	sfence.sel $0x180000  }
0x3e: {  	s2 =	simm.s32 $0x2;
	[bflag:$0x0] =	sbarrier.arrive $0xFFFF  }
0x3f: {  	s30 =	simm.s32 $0x3;
	[sflag:s2] =	ssyncpa.u1 $0x1  }
0x40: {  	s31 =	simm.s32 $0x1;
	[sflag:s30] =	ssyncpa.u1 $0x1  }
0x41: {  	[sflag:s31] =	ssyncpa.u1 $0x1  }
0x42: {  	p0 =	sne.s32 s0, $0x0;
	_ =	strace $0x90000047  }
0x43: {  	s0 =	sadd.s32 @!p0 $0x100000, s1;
	[bflag:$0x2] =	sbarrier.arrive $0xFFFF  }
0x44: {  	[sflag:s0] =	ssyncadd.tile.s32 @!p0 $0x1;
	_ =	shalt  }
.Lfunc_end2:
_tile_overlayer_lowered:
.L_overlay_start_2:
0x45: {  	(tag) =	ssettag $0x2  }
0x46: {  	s0 =	rddreg [dreg:$0x0];
	s2 =	stileid.u32  }
0x47: {  	s1 =	rddreg [dreg:$0x1];
	p0 =	sne.s32 s2, $0x0  }
0x48: {  	s3 =	rddreg [dreg:$0x2];
	[bflag:$0x3] =	sbarrier.arrive $0xFFFF;
	s2 =	simm.s32 @!p0 $0x1C01  }
0x49: {  	[timem:s3], [sflag:s2] =	dma.local @!p0 [hbm:s0], s1  }
0x4a: {  	s0 =	simm.s32 @!p0 $0x1  }
0x4b: {  	_ =	swait.ge @!p0 [sflag:s0], s1  }
0x4c: {  	s1 =	ssub.s32 @!p0 $0x0, s1;
	[sflag:s0] =	ssyncset.done @!p0 $0x0  }
0x4d: {  	[sflag:s0] =	ssyncadd.s32 @!p0 s1  }
0x4e: {  	[bflag:$0x3] =	sbarrier.arrive $0xFFFF  }
0x4f: {  	_ =	shalt  }

// kernel: kernel.6.cloned.1.call-start
scs
__scs_entry_jumppad:
0x0: {  	(pc) =	sbr.rel $0x88, $3  }
0x1: {  	(tag) =	ssettag $0x0;
	lr =	simm.s32 $0x1  }
0x2: {  	[smem:$0x3F90] =	sst lr;
	_ =	strace $0xD0000000  }
0x3: {  	_ = 	snop  }
0x4: {  	_ = 	snop  }
0x5: {  	_ = 	snop  }
0x6: {  	_ = 	snop  }
0x7: {  	_ = 	snop  }
__scs_overlays_trampoline_lowered:
0x8: {  	[smem:$0x3F9F] =	sst s0  }
0x9: {  	[smem:$0x3FA0] =	sst s1  }
0xa: {  	[smem:$0x3FA1] =	sst s2  }
0xb: {  	[smem:$0x3FA2] =	sst s3  }
0xc: {  	[smem:$0x3FA3] =	sst s4  }
0xd: {  	[smem:$0x3FA4] =	sst s5  }
0xe: {  	[smem:$0x3FA5] =	sst s6  }
0xf: {  	[smem:$0x3FA6] =	sst s7  }
0x10: {  	[smem:$0x3FA7] =	sst s8  }
0x11: {  	[smem:$0x3FA8] =	sst s9;
	s0 =	simm.s32 @!p0 $0x0  }
0x12: {  	s1 =	sld [smem:$0x3F8E];
	s0 =	simm.s32 @p0 $0x1  }
0x13: {  	[smem:$0x3FA9] =	sst s0;
	s0 =	simm.s32 @!p1 $0x0  }
0x14: {  	s2 =	sld [smem:$0x3F8D];
	s0 =	simm.s32 @p1 $0x1  }
0x15: {  	[smem:$0x3FAA] =	sst s0;
	s0 =	simm.s32 @!p2 $0x0  }
0x16: {  	s3 =	sld [smem:$0x3FDB];
	s0 =	simm.s32 @p2 $0x1  }
0x17: {  	s4 =	simm.s32 $0x1BF5;
	[smem:$0x3FAC] =	sst s0  }
0x18: {  	s0 =	sld [smem:$0x3F8F];
	_ =	swait.ge [sflag:s4], $0x0  }
0x19: {  	s7 =	sld [smem:$0x3F90]  }
0x1a: {  	s8 =	sadd.s32 $0xFFFFE003, lr  }
0x1b: {  	s9 =	sadd.s32 $0xFFFFFEF7, lr;
	s5 =	simm.s32 $0xFFFFFFFF;
	p2 =	slt.u32 s8, $0xFFFFF086  }
0x1c: {  	p1 =	slt.u32 s9, $0xF7A;
	s5 =	simm.s32 @!p2 $0x0  }
0x1d: {  	s5 =	simm.s32 @p1 $0x1;
	p0 =	seq.s32 s7, s2  }
0x1e: {  	s7 =	smul.u32 @!p0 $0xF7A, s2;
	p2 =	seq.s32 @!p0 s5, $0x0  }
0x1f: {  	s9 =	smul.u32 $0xF7A, s1;
	s8 =	simm.s32 @!p0 $0x1BF5;
	p2 =	por !p2, p0  }
0x20: {  	[sflag:s8] =	ssyncset.s32 @!p0 $0xFFFFF086;
	s6 =	sadd.s32 @!p0 s3, s7;
	s7 =	simm.s32 @!p0 $0x108  }
0x21: {  	s3 =	sadd.s32 s3, s9;
	s6 =	sadd.s32 @!p0 $0x88, s6;
	s7 =	simm.s32 @p2 $0x1082  }
0x22: {  	[simem:s7], [sflag:s8] =	dma.local @!p0 [hbm:s6], $0xF7A  }
0x23: {  	s9 =	sor.u32 $0xD0000000, s2;
	s6 =	simm.s32 $0x108;
	_ =	swait.ge @!p0 [sflag:s8], $0x0  }
0x24: {  	s3 =	sadd.s32 $0x88, s3;
	s6 =	simm.s32 @!p1 $0x1082;
	[sflag:s4] =	ssyncset.s32 $0xFFFFF086  }
0x25: {  	[simem:s6], [sflag:s4] =	dma.local [hbm:s3], $0xF7A  }
0x26: {  	[smem:$0x3F90] =	sst s1;
	(tag) =	ssettag s2;
	_ =	strace s9  }
0x27: {  	s1 =	sld [smem:$0x3FA0]  }
0x28: {  	s2 =	sld [smem:$0x3FA1]  }
0x29: {  	s4 =	sld [smem:$0x3FA3]  }
0x2a: {  	p0 =	seq.s32 s5, $0x0;
	s5 =	sld [smem:$0x3FA4]  }
0x2b: {  	s6 =	sld [smem:$0x3FA5]  }
0x2c: {  	s7 =	sld [smem:$0x3FA6]  }
0x2d: {  	s3 =	simm.s32 $0x108;
	s8 =	sld [smem:$0x3FA7]  }
0x2e: {  	s3 =	simm.s32 @!p0 $0x1082;
	s9 =	sld [smem:$0x3FA8]  }
0x2f: {  	lr =	sadd.s32 s0, s3;
	s0 =	sld [smem:$0x3F9F]  }
0x30: {  	s3 =	sld [smem:$0x3FA2]  }
0x31: {  	[smem:$0x3FAB] =	sst s10  }
0x32: {  	s10 =	sld [smem:$0x3FA9];
	_ =	sdelay $0x3  }
0x33: {  	p0 =	seq.s32 s10, $0x1;
	s10 =	sld [smem:$0x3FAB];
	_ =	sdelay $0x3  }
0x34: {  	[smem:$0x3FAB] =	sst s10  }
0x35: {  	s10 =	sld [smem:$0x3FAA];
	_ =	sdelay $0x3  }
0x36: {  	p1 =	seq.s32 s10, $0x1;
	s10 =	sld [smem:$0x3FAB];
	_ =	sdelay $0x3  }
0x37: {  	[smem:$0x3FAB] =	sst s10  }
0x38: {  	s10 =	sld [smem:$0x3FAC]  }
0x39: {  	_ = 	snop;
	(pc) =	sbr.ind lr, $3  }
0x3a: {  	_ = 	snop  }
0x3b: {  	_ = 	snop  }
0x3c: {  	p2 =	seq.s32 s10, $0x1;
	s10 =	sld [smem:$0x3FAB]  }
0x3d: {  	_ =	shalt  }
0x3e: {  	_ =	shalt  }
0x3f: {  	_ =	shalt  }
0x40: {  	_ =	shalt  }
0x41: {  	_ =	shalt  }
0x42: {  	_ =	shalt  }
0x43: {  	_ =	shalt  }
0x44: {  	_ =	shalt  }
0x45: {  	_ =	shalt  }
0x46: {  	_ =	shalt  }
0x47: {  	_ =	shalt  }
0x48: {  	_ =	shalt  }
0x49: {  	_ =	shalt  }
0x4a: {  	_ =	shalt  }
0x4b: {  	_ =	shalt  }
0x4c: {  	_ =	shalt  }
0x4d: {  	_ =	shalt  }
0x4e: {  	_ =	shalt  }
0x4f: {  	_ =	shalt  }
0x50: {  	_ =	shalt  }
0x51: {  	_ =	shalt  }
0x52: {  	_ =	shalt  }
0x53: {  	_ =	shalt  }
0x54: {  	_ =	shalt  }
0x55: {  	_ =	shalt  }
0x56: {  	_ =	shalt  }
0x57: {  	_ =	shalt  }
0x58: {  	_ =	shalt  }
0x59: {  	_ =	shalt  }
0x5a: {  	_ =	shalt  }
0x5b: {  	_ =	shalt  }
0x5c: {  	_ =	shalt  }
0x5d: {  	_ =	shalt  }
0x5e: {  	_ =	shalt  }
0x5f: {  	_ =	shalt  }
0x60: {  	_ =	shalt  }
0x61: {  	_ =	shalt  }
0x62: {  	_ =	shalt  }
0x63: {  	_ =	shalt  }
0x64: {  	_ =	shalt  }
0x65: {  	_ =	shalt  }
0x66: {  	_ =	shalt  }
0x67: {  	_ =	shalt  }
0x68: {  	_ =	shalt  }
0x69: {  	_ =	shalt  }
0x6a: {  	_ =	shalt  }
0x6b: {  	_ =	shalt  }
0x6c: {  	_ =	shalt  }
0x6d: {  	_ =	shalt  }
0x6e: {  	_ =	shalt  }
0x6f: {  	_ =	shalt  }
0x70: {  	_ =	shalt  }
0x71: {  	_ =	shalt  }
0x72: {  	_ =	shalt  }
0x73: {  	_ =	shalt  }
0x74: {  	_ =	shalt  }
0x75: {  	_ =	shalt  }
0x76: {  	_ =	shalt  }
0x77: {  	_ =	shalt  }
0x78: {  	_ =	shalt  }
0x79: {  	_ =	shalt  }
0x7a: {  	_ =	shalt  }
0x7b: {  	_ =	shalt  }
0x7c: {  	_ =	shalt  }
0x7d: {  	_ =	shalt  }
0x7e: {  	_ =	shalt  }
0x7f: {  	_ =	shalt  }
0x80: {  	_ =	shalt  }
0x81: {  	_ =	shalt  }
0x82: {  	_ =	shalt  }
0x83: {  	_ =	shalt  }
0x84: {  	_ =	shalt  }
0x85: {  	_ =	shalt  }
0x86: {  	_ =	shalt  }
0x87: {  	_ =	shalt  }
.Lfunc_end0:
.L_simem_size_0:
called_computation.1_lowered:
.L_overlay_start_0:
0x88: {  	s2 =	sld [smem:$0x3FD9]  }
0x89: {  	s3 =	sld [smem:$0x3FFE];
	_ =	sdelay $0x1  }
0x8a: {  	s1 =	srdreg.scid  }
0x8b: {  	s0 =	sand.u32 $0x1, s1  }
0x8c: {  	s16 =	sshll.u32 s0, $0xA;
	s2 =	sadd.s32 s3, s2  }
0x8d: {  	s2 =	sadd.s32 s2, s16  }
0x8e: {  	[smem:$0x3FB7] =	sst s2  }
0x8f: {  	_ = 	snop  }
0x90: {  	s4 =	sld [smem:$0x3FD0];
	_ =	sdelay $0x1  }
0x91: {  	s2 =	sld [smem:$0x3FC8]  }
0x92: {  	s5 =	simm.s32 $0xB;
	s6 =	simm.s32 $0x10;
	s17 =	sld [smem:$0x3FC5]  }
0x93: {  	[smem:s6], [sflag:s5] =	dma.local [hbm:s4], $0x1  }
0x94: {  	_ =	swait.eq [sflag:s5], $0x1  }
0x95: {  	[sflag:s5] =	ssyncset.done $0x0  }
0x96: {  	[sflag:s5] =	ssyncadd.s32 $0xFFFFFFFF  }
0x97: {  	s18 =	sld [smem:$0x11];
	(tm) =	ssettm $0x1  }
0x98: {  	s19 =	sld [smem:$0x3FFB];
	_ =	sdelay $0x3  }
0x99: {  	_ =	strace s19  }
0x9a: {  	s4 =	sld [smem:$0x3FFC];
	_ =	sdelay $0x3  }
0x9b: {  	_ =	strace s4  }
0x9c: {  	s4 =	sld [smem:$0x3FFD];
	_ =	sdelay $0x3  }
0x9d: {  	_ =	strace s4  }
0x9e: {  	_ =	strace $0x8FFFFFFF  }
0x9f: {  	s20 =	sld [smem:$0x3FDB];
	_ =	sdelay $0x1  }
0xa0: {  	s21 =	simm.s32 $_scs_section_size  }
0xa1: {  	s7 =	simm.s32 $_size__tile_overlayer_lowered;
	s8 =	simm.s32 $_tile_overlayer_lowered  }
0xa2: {  	s9 =	simm.s32 $0x1BFF;
	s22 =	sshll.u32 s8, $0x1;
	s6 =	sadd.s32 s21, s20  }
0xa3: {  	s23 =	simm.s32 $0x0;
	s7 =	sshll.u32 s7, $0x1;
	s8 =	sadd.s32 s22, s6  }
0xa4: {  	[timem:s23], [sflag:s9] =	dma.local [hbm:s8], s7  }
0xa5: {  	_ =	swait.ge [sflag:s9], s7  }
0xa6: {  	s7 =	ssub.s32 $0x0, s7;
	[sflag:s9] =	ssyncset.done $0x0  }
0xa7: {  	[sflag:s9] =	ssyncadd.s32 s7;
	_ =	sdelay $0x1  }
0xa8: {  	s24 =	simm.s32 $0x1B8B  }
0xa9: {  	_ =	swait.ge [sflag:s24], $0x1  }
0xaa: {  	[sflag:s24] =	ssyncset.done $0x0  }
0xab: {  	[sflag:s24] =	ssyncadd.s32 $0xFFFFFFFF  }
0xac: {  	s7 =	sld [smem:$0x0]  }
0xad: {  	s8 =	sand.u32 $0xFFFFFFFE, s1  }
0xae: {  	p0 =	sne.s32 s1, s8  }
0xaf: {  	s8 =	sshll.u32 @p0 s8, $0xE  }
0xb0: {  	s8 =	sadd.s32 @p0 $0x11B8D, s8;
	s9 =	sshll.u32 @p0 s7, $0x11  }
0xb1: {  	s8 =	sor.u32 @p0 s9, s8  }
0xb2: {  	[sflag:s8] =	ssyncadd.remote.s32 @p0 $0x1;
	_ =	sdelay $0x1  }
0xb3: {  	s8 =	simm.s32 @p0 $0x1B8D  }
0xb4: {  	_ =	swait.eq @p0 [sflag:s8], $0x1  }
0xb5: {  	[sflag:s8] =	ssyncadd.s32 @p0 $0xFFFFFFFF  }
0xb6: {  	s9 =	sshll.u32 @!p0 s1, $0xE  }
0xb7: {  	s9 =	sor.u32 @!p0 $0x4000, s9;
	s8 =	simm.s32 @!p0 $0x1B8D  }
0xb8: {  	s7 =	sshll.u32 @!p0 s7, $0x11;
	s9 =	sadd.s32 @!p0 $0x11B8D, s9;
	_ =	swait.eq @!p0 [sflag:s8], $0x1  }
0xb9: {  	s7 =	sor.u32 @!p0 s7, s9;
	[sflag:s8] =	ssyncadd.s32 @!p0 $0xFFFFFFFF  }
0xba: {  	s25 =	simm.s32 $0x1B8E;
	[sflag:s7] =	ssyncadd.remote.s32 @!p0 $0x1  }
0xbb: {  	s26 =	simm.s32 $execute0_lowered;
	[smem:$0x3FD2] =	sst s25  }
0xbc: {  	s7 =	sshll.u32 s26, $0x1;
	_ =	strace $0x80000049;
	[dreg:$0x1] =	wrdreg $0xFFFFFFFF  }
0xbd: {  	s28 =	simm.s32 $_size_execute0_lowered;
	s6 =	sadd.s32 s6, s7;
	[dreg:$0x0] =	wrdreg $0x0  }
0xbe: {  	s7 =	sshll.u32 s28, $0x1;
	[dreg:$0x2] =	wrdreg s6  }
0xbf: {  	[dreg:$0x3] =	wrdreg s7  }
0xc0: {  	[dreg:$0x4] =	wrdreg $0xC0  }
0xc1: {  	_ =	task [dreg:s23], $0x5FFFF  }
0xc2: {  	[dreg:$0x1] =	wrdreg $0xFFFFFFFF  }
0xc3: {  	[dreg:$0x0] =	wrdreg $0x60  }
0xc4: {  	[dreg:$0x2] =	wrdreg s2  }
0xc5: {  	[dreg:$0x3] =	wrdreg s17  }
0xc6: {  	[dreg:$0x4] =	wrdreg s18  }
0xc7: {  	[dreg:$0x5] =	wrdreg $0xA  }
0xc8: {  	_ =	task.clear_ibuf [dreg:s23], $0x6FFFF;
	_ =	strace $0x90000049  }
0xc9: {  	s29 =	simm.s32 $0xA;
	_ =	strace $0x8000004B  }
0xca: {  	_ =	swait.ge [sflag:s29], $0x1  }
0xcb: {  	[sflag:s29] =	ssyncadd.s32 $0xFFFFFFFF  }
0xcc: {  	_ =	strace $0x9000004B  }
0xcd: {  	_ =	sfence  }
0xce: {  	s30 =	sld [smem:$0x0];
	_ =	sdelay $0x2  }
0xcf: {  	s31 =	sshll.u32 s1, $0xD;
	s1 =	sshrl.u32 s1, $0x2  }
0xd0: {  	s3 =	sand.u32 $0x4000, s31;
	s1 =	sadd.s32 s1, s30  }
0xd1: {  	s0 =	sor.u32 s3, s0;
	s1 =	sshll.u32 s1, $0x11  }
0xd2: {  	s0 =	sor.u32 s1, s0  }
0xd3: {  	s0 =	sadd.s32 $0x8F2B, s0  }
0xd4: {  	[sflag:s0] =	ssyncadd.remote.s32 $0x1  }
0xd5: {  	_ =	sfence.sel $0xFFFF  }
0xd6: {  	[dreg:$0x0] =	wrdreg $0xFFFFFFFF;
	(pc) =	sbr.abs _section_cstart, $3  }
0xd7: {  	[dreg:$0x1] =	wrdreg $0xFFFFFFFF  }
0xd8: {  	_ =	task.clear_ibuf [dreg:s23], $0x2FFFF;
	_ =	strace $0x9FFFFFFF  }
0xd9: {  	(tm) =	ssettm $0x7FFFFFFF  }
tec
execute0_lowered:
.L_overlay_start_1:
0x0: {  	(tag) =	ssettag $0x1  }
0x1: {  	s1 =	rddreg [dreg:$0x0];
	s2 =	srdreg.scid  }
0x2: {  	s0 =	stileid.u32;
	s5 =	rddreg [dreg:$0x1]  }
0x3: {  	s7 =	rddreg [dreg:$0x2];
	s4 =	sand.u32 $0x1, s2;
	s30 =	sshll.u32 s0, $0x1  }
0x4: {  	s3 =	simm.s32 $0x0;
	s2 =	rddreg [dreg:$0x3];
	s9 =	sor.u32 s4, s30  }
0x5: {  	[smem:$0x7FF] =	sst s3;
	s4 =	ssub.s32 $0x2, s4;
	s10 =	smul.u32 $0xC40, s9  }
0x6: {  	_ =	strace $0x8000004A;
	s6 =	sshrl.u32 s4, $0x1;
	p0 =	seq.s32 s9, $0x1F  }
0x7: {  	s9 =	simm.s32 $0x1;
	s11 =	ssub.s32 s4, s6;
	s8 =	sshrl.u32 s10, $0x3  }
0x8: {  	s31 =	smin.u32 s10, $0x17A60;
	v0 =	vmov s10;
	s10 =	simm.s32 $0x1000;
	s4 =	sadd.s32 s5, s8  }
0x9: {  	s5 =	sadd.s32 $0x2F78, s5;
	s12 =	sadd.s32 $0xC40, s31;
	s6 =	sadd.s32 s7, s8  }
0xa: {  	v2 =	vimm.f32 $1.000000000e+00;
	s7 =	sadd.s32 $0x2F78, s7;
	s8 =	smax.u32 s11, $0x1;
	s11 =	simm.s32 $0x0;
	v1 =	vmov s12  }
.LBB2_1:
0xb: {  	s12 =	simm.s32 @p0 $0x0;
	s13 =	simm.s32 @p0 $0x1000  }
0xc: {  	[tilespmem:s13], [sflag:$0x1] =	stream.linear.gather @p0 [hbm4b:s5+s12], $0xAE0, $0x38;
	[tilespmem:$0x1C80] =	vst v63  }
0xd: {  	s12 =	simm.s32 @p0 $0x1  }
0xe: {  	_ =	swait.ge @p0 [sflag:s12], $0xAE0  }
0xf: {  	[sflag:s12] =	ssyncset.done @p0 $0x0  }
0x10: {  	s13 =	simm.s32 @!p0 $0x1000;
	[sflag:s12] =	ssyncadd.s32 @p0 $0xFFFFF520;
	s12 =	simm.s32 @!p0 $0x0  }
0x11: {  	[tilespmem:s13], [sflag:$0x1] =	stream.linear.gather @!p0 [hbm4b:s4+s12], $0xC40, $0x38;
	[tilespmem:$0x1C80] =	vst v63  }
0x12: {  	s12 =	simm.s32 @!p0 $0x1  }
0x13: {  	_ =	swait.ge @!p0 [sflag:s12], $0xC40  }
0x14: {  	[sflag:s12] =	ssyncset.done @!p0 $0x0  }
0x15: {  	[sflag:s12] =	ssyncadd.s32 @!p0 $0xFFFFF3C0  }
0x16: {  	[tilespmem:s3], [sflag:$0x1] =	stream.linear.gather [hbm4b:s1+s3], $0x1000, $0x38;
	[tilespmem:$0x1C80] =	vst v63  }
0x17: {  	_ =	swait.ge [sflag:s9], $0x1000  }
0x18: {  	[sflag:s9] =	ssyncset.done $0x0  }
0x19: {  	s13 =	simm.s32 $0x0;
	s12 =	simm.s32 $0x40;
	[sflag:s9] =	ssyncadd.s32 $0xFFFFF000  }
.LBB2_2:
0x1a: {  	p1 =	sne.s32 s12, $0x3FC0;
	v3 =	vld [tilespmem:s13+$0x0];
	_ =	sdelay $0x4  }
0x1b: {  	vm0 =	vge.s32 v3, v0;
	vm1 =	vlt.s32 v3, v1  }
0x1c: {  	v3 =	vsub.s32 v3, v0;
	vm0 =	vmand vm0, vm1  }
0x1d: {  	v3 =	vnsel vm0, $0x0, v3  }
.Ltmp0:
0x1e: {  	(pc) =	sbr.rel @p1 .LBB2_2-.Ltmp0, $2  }
0x1f: {  	_ =	sdelay $0x2  }
0x20: {  	s13 =	sshra.s32 s12, $0x2;
	s12 =	sadd.s32 $0x40, s12;
	[tilespmem:v3+s10+$0x0] =	vst.idx.msk vm0, v2  }
0x21: {  	v3 =	vld [tilespmem:s13+$0x0];
	_ =	sdelay $0x4  }
0x22: {  	vm0 =	vge.s32 v3, v0;
	vm1 =	vlt.s32 v3, v1  }
0x23: {  	v3 =	vsub.s32 v3, v0;
	vm0 =	vmand vm0, vm1  }
0x24: {  	v3 =	vnsel vm0, $0x0, v3;
	_ =	sdelay $0x4  }
0x25: {  	s12 =	simm.s32 @p0 $0x0;
	s13 =	simm.s32 @p0 $0x1000;
	[tilespmem:v3+s10+$0x0] =	vst.idx.msk vm0, v2  }
0x26: {  	[hbm4b:s7+s12] =	stream.linear.scatter @p0 [tilespmem:s13], [sflag:$0x1], $0xAE0, $0x38;
	[tilespmem:$0x1C80] =	vst v63  }
0x27: {  	s12 =	simm.s32 @p0 $0x1  }
0x28: {  	s11 =	sadd.s32 $0x1, s11;
	_ =	swait.ge @p0 [sflag:s12], $0xAE0  }
0x29: {  	p1 =	sne.s32 s11, s8;
	[sflag:s12] =	ssyncset.done @p0 $0x0  }
0x2a: {  	s13 =	simm.s32 @!p0 $0x1000;
	[sflag:s12] =	ssyncadd.s32 @p0 $0xFFFFF520;
	s12 =	simm.s32 @!p0 $0x0  }
0x2b: {  	[hbm4b:s6+s12] =	stream.linear.scatter @!p0 [tilespmem:s13], [sflag:$0x1], $0xC40, $0x38;
	[tilespmem:$0x1C80] =	vst v63  }
.Ltmp1:
0x2c: {  	_ = 	snop;
	(pc) =	sbr.rel @p1 .LBB2_1-.Ltmp1, $4  }
0x2d: {  	s12 =	simm.s32 @!p0 $0x1  }
0x2e: {  	_ =	swait.ge @!p0 [sflag:s12], $0xC40  }
0x2f: {  	[sflag:s12] =	ssyncset.done @!p0 $0x0  }
0x30: {  	[sflag:s12] =	ssyncadd.s32 @!p0 $0xFFFFF3C0  }
0x31: {  	_ =	sfence.sel $0x180000  }
0x32: {  	[bflag:$0x0] =	sbarrier.arrive $0xFFFF  }
0x33: {  	p0 =	sne.s32 s0, $0x0;
	_ =	strace $0x9000004A  }
0x34: {  	s0 =	sadd.s32 @!p0 $0x100000, s2;
	[bflag:$0x2] =	sbarrier.arrive $0xFFFF  }
0x35: {  	[sflag:s0] =	ssyncadd.tile.s32 @!p0 $0x1;
	_ =	shalt  }
.Lfunc_end2:
_tile_overlayer_lowered:
.L_overlay_start_2:
0x36: {  	(tag) =	ssettag $0x2  }
0x37: {  	s0 =	rddreg [dreg:$0x0];
	s2 =	stileid.u32  }
0x38: {  	s1 =	rddreg [dreg:$0x1];
	p0 =	sne.s32 s2, $0x0  }
0x39: {  	s3 =	rddreg [dreg:$0x2];
	[bflag:$0x3] =	sbarrier.arrive $0xFFFF;
	s2 =	simm.s32 @!p0 $0x1C01  }
0x3a: {  	[timem:s3], [sflag:s2] =	dma.local @!p0 [hbm:s0], s1  }
0x3b: {  	s0 =	simm.s32 @!p0 $0x1  }
0x3c: {  	_ =	swait.ge @!p0 [sflag:s0], s1  }
0x3d: {  	s1 =	ssub.s32 @!p0 $0x0, s1;
	[sflag:s0] =	ssyncset.done @!p0 $0x0  }
0x3e: {  	[sflag:s0] =	ssyncadd.s32 @!p0 s1  }
0x3f: {  	[bflag:$0x3] =	sbarrier.arrive $0xFFFF  }
0x40: {  	_ =	shalt  }

</sc_bundles>
